<compile_context>
chip_gen: v7x
topology: tpu7x:2x2x1
jax: 0.10.2.dev20260603
libtpu: 0.0.44.dev20260713+nightly
codegen_flags: <defaults>
</compile_context>

<pallas_src>
import functools

import jax
import jax.numpy as jnp
from jax import lax
from jax.experimental import pallas as pl
from jax.experimental.pallas import tpu as pltpu
from jax.experimental.pallas import tpu_sc as plsc

NC = 2
NS = 16
NW = NC * NS
LANES = 16

BATCH = 16384
EMBED_DIM = 32
PER_W = BATCH // NW
CHUNK = 128
NCHUNK = PER_W // CHUNK


def _mf_kernel(user_ids, show_ids, user_emb, show_emb, user_bias, show_bias,
               out, idx_u, idx_s, ue_v, se_v, ub_v, sb_v, out_v, sem):
    wid = lax.axis_index("c") * NS + lax.axis_index("s")
    base = wid * PER_W

    pltpu.sync_copy(user_ids.at[pl.ds(base, PER_W)], idx_u)
    pltpu.sync_copy(show_ids.at[pl.ds(base, PER_W)], idx_s)

    copies = []
    for c in range(NCHUNK):
        iu = idx_u.at[pl.ds(c * CHUNK, CHUNK)]
        isw = idx_s.at[pl.ds(c * CHUNK, CHUNK)]
        rows = pl.ds(c * CHUNK, CHUNK)
        copies.append(pltpu.async_copy(user_emb.at[iu], ue_v.at[rows], sem))
        copies.append(pltpu.async_copy(show_emb.at[isw], se_v.at[rows], sem))
        copies.append(pltpu.async_copy(user_bias.at[iu], ub_v.at[rows], sem))
        copies.append(pltpu.async_copy(show_bias.at[isw], sb_v.at[rows], sem))
    for cp in copies:
        cp.wait()

    iota = lax.iota(jnp.int32, LANES)
    cols = [(iota + d) % EMBED_DIM for d in range(EMBED_DIM)]

    def body(g, _):
        row = g * LANES + iota
        accs = [jnp.zeros((LANES,), jnp.float32) for _ in range(4)]
        for d in range(EMBED_DIM):
            u = plsc.load_gather(ue_v, [row, cols[d]])
            s = plsc.load_gather(se_v, [row, cols[d]])
            accs[d % 4] = accs[d % 4] + u * s
        ub = ub_v[pl.ds(g * LANES, LANES)]
        sb = sb_v[pl.ds(g * LANES, LANES)]
        res = (accs[0] + accs[1]) + (accs[2] + accs[3]) + (ub + sb)
        out_v[pl.ds(g * LANES, LANES)] = res
        return 0

    lax.fori_loop(0, PER_W // LANES, body, 0)

    pltpu.sync_copy(out_v, out.at[pl.ds(base, PER_W)])


@jax.jit
def _mf(user_ids, show_ids, user_emb, show_emb, user_bias, show_bias):
    mesh = plsc.VectorSubcoreMesh(
        core_axis_name="c", subcore_axis_name="s",
        num_cores=NC, num_subcores=NS)
    fn = pl.kernel(
        _mf_kernel,
        out_type=jax.ShapeDtypeStruct((BATCH,), jnp.float32),
        mesh=mesh,
        scratch_types=[
            pltpu.VMEM((PER_W,), jnp.int32),
            pltpu.VMEM((PER_W,), jnp.int32),
            pltpu.VMEM((PER_W, EMBED_DIM), jnp.float32),
            pltpu.VMEM((PER_W, EMBED_DIM), jnp.float32),
            pltpu.VMEM((PER_W,), jnp.float32),
            pltpu.VMEM((PER_W,), jnp.float32),
            pltpu.VMEM((PER_W,), jnp.float32),
            pltpu.SemaphoreType.DMA,
        ],
        compiler_params=pltpu.CompilerParams(
            needs_layout_passes=False, use_tc_tiling_on_sc=False),
    )
    return fn(user_ids, show_ids, user_emb, show_emb, user_bias, show_bias)


def kernel(user_ids, show_ids, user_emb, show_emb, user_bias, show_bias):
    return _mf(user_ids.astype(jnp.int32), show_ids.astype(jnp.int32),
               user_emb, show_emb,
               user_bias.reshape(-1), show_bias.reshape(-1))

# --- scband reference (transcript-rebuilt; emitter-appended) ---
"""Pipeline reference for scband-matrix-factorisation-model-37898791420227 (READ-ONLY COPY).

The authoritative reference and input builder live on the scoring server;
editing this copy changes nothing except your own understanding.
"""

import jax, jax.numpy as jnp
import numpy as np

N_USERS = 1000000
N_SHOWS = 100000
EMBED_DIM = 32
BATCH = 16384

def setup_inputs(seed: int = 0) -> dict:
    key = jax.random.key(seed)
    k1, k2, k3, k4, k5, k6 = jax.random.split(key, 6)
    user_ids = jax.random.randint(k1, (BATCH,), 0, N_USERS, dtype=jnp.int64) if jax.config.jax_enable_x64 else jax.random.randint(k1, (BATCH,), 0, N_USERS, dtype=jnp.int32)
    show_ids = jax.random.randint(k2, (BATCH,), 0, N_SHOWS, dtype=jnp.int32)
    user_emb = jax.random.normal(k3, (N_USERS, EMBED_DIM), dtype=jnp.float32)
    show_emb = jax.random.normal(k4, (N_SHOWS, EMBED_DIM), dtype=jnp.float32)
    user_bias = jax.random.normal(k5, (N_USERS, 1), dtype=jnp.float32)
    show_bias = jax.random.normal(k6, (N_SHOWS, 1), dtype=jnp.float32)
    return {"user_ids": user_ids, "show_ids": show_ids, "user_emb": user_emb, "show_emb": show_emb, "user_bias": user_bias, "show_bias": show_bias}

def reference(user_ids, show_ids, user_emb, show_emb, user_bias, show_bias):
    ue = jnp.take(user_emb, user_ids, axis=0)
    se = jnp.take(show_emb, show_ids, axis=0)
    ub = jnp.take(user_bias, user_ids, axis=0)
    sb = jnp.take(show_bias, show_ids, axis=0)
    prediction = jnp.sum(ue * se, axis=1, keepdims=True)
    prediction = prediction + ub + sb
    return jnp.squeeze(prediction)

if __name__ == "__main__":
    import jax
    _d = setup_inputs()
    print(jax.jit(kernel)(*tuple(_d.values())))

</pallas_src>

<mosaic_0001>
#map = affine_map<(d0, d1) -> (0)>
#map1 = affine_map<(d0, d1) -> (0, 0)>
module attributes {stable_mosaic.version = 14 : i64} {
  func.func @_mf_kernel(%arg0: i32, %arg1: i32, %arg2: memref<16384xi32, #tpu.memory_space<hbm>>, %arg3: memref<16384xi32, #tpu.memory_space<hbm>>, %arg4: memref<1000000x32xf32, #tpu.memory_space<hbm>>, %arg5: memref<100000x32xf32, #tpu.memory_space<hbm>>, %arg6: memref<1000000xf32, #tpu.memory_space<hbm>>, %arg7: memref<100000xf32, #tpu.memory_space<hbm>>, %arg8: memref<16384xf32, #tpu.memory_space<hbm>>, %arg9: memref<512xi32, #tpu.memory_space<vmem>>, %arg10: memref<512xi32, #tpu.memory_space<vmem>>, %arg11: memref<512x32xf32, #tpu.memory_space<vmem>>, %arg12: memref<512x32xf32, #tpu.memory_space<vmem>>, %arg13: memref<512xf32, #tpu.memory_space<vmem>>, %arg14: memref<512xf32, #tpu.memory_space<vmem>>, %arg15: memref<512xf32, #tpu.memory_space<vmem>>, %arg16: memref<!tpu.dma_semaphore, #tpu.memory_space<semaphore_mem>>) attributes {dimension_semantics = [#tpu.dimension_semantics<core_parallel>, #tpu.dimension_semantics<subcore_parallel>], iteration_bounds = array<i64: 2, 16>, scalar_prefetch = 0 : i64, scratch_operands = 8 : i64, tpu.core_type = #tpu.core_type<sc_vector_subcore>, window_params = [{transform_indices = #map}, {transform_indices = #map}, {transform_indices = #map1}, {transform_indices = #map1}, {transform_indices = #map}, {transform_indices = #map}, {transform_indices = #map}]} {
    %mul3A = arith.constant 16 : i32
    %mul3A_0 = arith.muli %arg0, %mul3A : i32
    %add3A = arith.addi %mul3A_0, %arg1 : i32
    %mul3A_1 = arith.constant 512 : i32
    %mul3A_2 = arith.muli %add3A, %mul3A_1 : i32
    "tpu.region"() ({
      %run_scoped3A = tpu.sem_alloc : memref<!tpu.dma_semaphore, #tpu.memory_space<semaphore_mem>>
      %dma_start3A_1024 = tpu.memref_slice %arg2[%mul3A_2] : memref<16384xi32, #tpu.memory_space<hbm>> -> memref<512xi32, #tpu.memory_space<hbm>>
      %dma_start3A_1025 = tpu.memref_slice %arg2[%mul3A_2] : memref<16384xi32, #tpu.memory_space<hbm>> -> memref<512xi32, #tpu.memory_space<hbm>>
      tpu.enqueue_dma source(%dma_start3A_1025 : memref<512xi32, #tpu.memory_space<hbm>>) target(%arg9 : memref<512xi32, #tpu.memory_space<vmem>>) target_semaphore(%run_scoped3A : memref<!tpu.dma_semaphore, #tpu.memory_space<semaphore_mem>>)
      %dma_wait3A_1026 = tpu.memref_slice %arg2[%mul3A_2] : memref<16384xi32, #tpu.memory_space<hbm>> -> memref<512xi32, #tpu.memory_space<hbm>>
      %dma_wait3A_1027 = tpu.memref_slice %arg2[%mul3A_2] : memref<16384xi32, #tpu.memory_space<hbm>> -> memref<512xi32, #tpu.memory_space<hbm>>
      tpu.wait_dma2 semaphore(%run_scoped3A : memref<!tpu.dma_semaphore, #tpu.memory_space<semaphore_mem>>) src(%dma_wait3A_1027 : memref<512xi32, #tpu.memory_space<hbm>>) dst(%arg9 : memref<512xi32, #tpu.memory_space<vmem>>)
      tpu.yield
    }) : () -> ()
    "tpu.region"() ({
      %run_scoped3A = tpu.sem_alloc : memref<!tpu.dma_semaphore, #tpu.memory_space<semaphore_mem>>
      %dma_start3A_1024 = tpu.memref_slice %arg3[%mul3A_2] : memref<16384xi32, #tpu.memory_space<hbm>> -> memref<512xi32, #tpu.memory_space<hbm>>
      %dma_start3A_1025 = tpu.memref_slice %arg3[%mul3A_2] : memref<16384xi32, #tpu.memory_space<hbm>> -> memref<512xi32, #tpu.memory_space<hbm>>
      tpu.enqueue_dma source(%dma_start3A_1025 : memref<512xi32, #tpu.memory_space<hbm>>) target(%arg10 : memref<512xi32, #tpu.memory_space<vmem>>) target_semaphore(%run_scoped3A : memref<!tpu.dma_semaphore, #tpu.memory_space<semaphore_mem>>)
      %dma_wait3A_1026 = tpu.memref_slice %arg3[%mul3A_2] : memref<16384xi32, #tpu.memory_space<hbm>> -> memref<512xi32, #tpu.memory_space<hbm>>
      %dma_wait3A_1027 = tpu.memref_slice %arg3[%mul3A_2] : memref<16384xi32, #tpu.memory_space<hbm>> -> memref<512xi32, #tpu.memory_space<hbm>>
      tpu.wait_dma2 semaphore(%run_scoped3A : memref<!tpu.dma_semaphore, #tpu.memory_space<semaphore_mem>>) src(%dma_wait3A_1027 : memref<512xi32, #tpu.memory_space<hbm>>) dst(%arg10 : memref<512xi32, #tpu.memory_space<vmem>>)
      tpu.yield
    }) : () -> ()
    %dma_start3A = arith.constant 0 : i32
    %dma_start3A_3 = arith.constant 0 : i32
    %dma_start3A_4 = tpu.memref_slice %arg11[%dma_start3A, %dma_start3A_3] : memref<512x32xf32, #tpu.memory_space<vmem>> -> memref<128x32xf32, #tpu.memory_space<vmem>>
    %dma_start3A_5 = arith.constant 0 : i32
    %dma_start3A_6 = tpu.memref_slice %arg9[%dma_start3A_5] : memref<512xi32, #tpu.memory_space<vmem>> -> memref<128xi32, #tpu.memory_space<vmem>>
    %dma_start3A_7 = arith.constant 0 : i32
    %dma_start3A_8 = arith.constant 0 : i32
    %dma_start3A_9 = tpu.memref_slice %arg4[%dma_start3A_7, %dma_start3A_8] : memref<1000000x32xf32, #tpu.memory_space<hbm>> -> memref<1000000x32xf32, #tpu.memory_space<hbm>>
    tpu.enqueue_indirect_dma source(%dma_start3A_9 : memref<1000000x32xf32, #tpu.memory_space<hbm>>) target(%dma_start3A_4 : memref<128x32xf32, #tpu.memory_space<vmem>>) offsets(%dma_start3A_6 : memref<128xi32, #tpu.memory_space<vmem>>) semaphore(%arg16 : memref<!tpu.dma_semaphore, #tpu.memory_space<semaphore_mem>>)
    %dma_start3A_10 = arith.constant 0 : i32
    %dma_start3A_11 = arith.constant 0 : i32
    %dma_start3A_12 = tpu.memref_slice %arg12[%dma_start3A_10, %dma_start3A_11] : memref<512x32xf32, #tpu.memory_space<vmem>> -> memref<128x32xf32, #tpu.memory_space<vmem>>
    %dma_start3A_13 = arith.constant 0 : i32
    %dma_start3A_14 = tpu.memref_slice %arg10[%dma_start3A_13] : memref<512xi32, #tpu.memory_space<vmem>> -> memref<128xi32, #tpu.memory_space<vmem>>
    %dma_start3A_15 = arith.constant 0 : i32
    %dma_start3A_16 = arith.constant 0 : i32
    %dma_start3A_17 = tpu.memref_slice %arg5[%dma_start3A_15, %dma_start3A_16] : memref<100000x32xf32, #tpu.memory_space<hbm>> -> memref<100000x32xf32, #tpu.memory_space<hbm>>
    tpu.enqueue_indirect_dma source(%dma_start3A_17 : memref<100000x32xf32, #tpu.memory_space<hbm>>) target(%dma_start3A_12 : memref<128x32xf32, #tpu.memory_space<vmem>>) offsets(%dma_start3A_14 : memref<128xi32, #tpu.memory_space<vmem>>) semaphore(%arg16 : memref<!tpu.dma_semaphore, #tpu.memory_space<semaphore_mem>>)
    %dma_start3A_18 = arith.constant 0 : i32
    %dma_start3A_19 = tpu.memref_slice %arg13[%dma_start3A_18] : memref<512xf32, #tpu.memory_space<vmem>> -> memref<128xf32, #tpu.memory_space<vmem>>
    %dma_start3A_20 = arith.constant 0 : i32
    %dma_start3A_21 = tpu.memref_slice %arg9[%dma_start3A_20] : memref<512xi32, #tpu.memory_space<vmem>> -> memref<128xi32, #tpu.memory_space<vmem>>
    %dma_start3A_22 = arith.constant 0 : i32
    %dma_start3A_23 = tpu.memref_slice %arg6[%dma_start3A_22] : memref<1000000xf32, #tpu.memory_space<hbm>> -> memref<1000000xf32, #tpu.memory_space<hbm>>
    tpu.enqueue_indirect_dma source(%dma_start3A_23 : memref<1000000xf32, #tpu.memory_space<hbm>>) target(%dma_start3A_19 : memref<128xf32, #tpu.memory_space<vmem>>) offsets(%dma_start3A_21 : memref<128xi32, #tpu.memory_space<vmem>>) semaphore(%arg16 : memref<!tpu.dma_semaphore, #tpu.memory_space<semaphore_mem>>)
    %dma_start3A_24 = arith.constant 0 : i32
    %dma_start3A_25 = tpu.memref_slice %arg14[%dma_start3A_24] : memref<512xf32, #tpu.memory_space<vmem>> -> memref<128xf32, #tpu.memory_space<vmem>>
    %dma_start3A_26 = arith.constant 0 : i32
    %dma_start3A_27 = tpu.memref_slice %arg10[%dma_start3A_26] : memref<512xi32, #tpu.memory_space<vmem>> -> memref<128xi32, #tpu.memory_space<vmem>>
    %dma_start3A_28 = arith.constant 0 : i32
    %dma_start3A_29 = tpu.memref_slice %arg7[%dma_start3A_28] : memref<100000xf32, #tpu.memory_space<hbm>> -> memref<100000xf32, #tpu.memory_space<hbm>>
    tpu.enqueue_indirect_dma source(%dma_start3A_29 : memref<100000xf32, #tpu.memory_space<hbm>>) target(%dma_start3A_25 : memref<128xf32, #tpu.memory_space<vmem>>) offsets(%dma_start3A_27 : memref<128xi32, #tpu.memory_space<vmem>>) semaphore(%arg16 : memref<!tpu.dma_semaphore, #tpu.memory_space<semaphore_mem>>)
    %dma_start3A_30 = arith.constant 128 : i32
    %dma_start3A_31 = arith.constant 0 : i32
    %dma_start3A_32 = tpu.memref_slice %arg11[%dma_start3A_30, %dma_start3A_31] : memref<512x32xf32, #tpu.memory_space<vmem>> -> memref<128x32xf32, #tpu.memory_space<vmem>>
    %dma_start3A_33 = arith.constant 128 : i32
    %dma_start3A_34 = tpu.memref_slice %arg9[%dma_start3A_33] : memref<512xi32, #tpu.memory_space<vmem>> -> memref<128xi32, #tpu.memory_space<vmem>>
    %dma_start3A_35 = arith.constant 0 : i32
    %dma_start3A_36 = arith.constant 0 : i32
    %dma_start3A_37 = tpu.memref_slice %arg4[%dma_start3A_35, %dma_start3A_36] : memref<1000000x32xf32, #tpu.memory_space<hbm>> -> memref<1000000x32xf32, #tpu.memory_space<hbm>>
    tpu.enqueue_indirect_dma source(%dma_start3A_37 : memref<1000000x32xf32, #tpu.memory_space<hbm>>) target(%dma_start3A_32 : memref<128x32xf32, #tpu.memory_space<vmem>>) offsets(%dma_start3A_34 : memref<128xi32, #tpu.memory_space<vmem>>) semaphore(%arg16 : memref<!tpu.dma_semaphore, #tpu.memory_space<semaphore_mem>>)
    %dma_start3A_38 = arith.constant 128 : i32
    %dma_start3A_39 = arith.constant 0 : i32
    %dma_start3A_40 = tpu.memref_slice %arg12[%dma_start3A_38, %dma_start3A_39] : memref<512x32xf32, #tpu.memory_space<vmem>> -> memref<128x32xf32, #tpu.memory_space<vmem>>
    %dma_start3A_41 = arith.constant 128 : i32
    %dma_start3A_42 = tpu.memref_slice %arg10[%dma_start3A_41] : memref<512xi32, #tpu.memory_space<vmem>> -> memref<128xi32, #tpu.memory_space<vmem>>
    %dma_start3A_43 = arith.constant 0 : i32
    %dma_start3A_44 = arith.constant 0 : i32
    %dma_start3A_45 = tpu.memref_slice %arg5[%dma_start3A_43, %dma_start3A_44] : memref<100000x32xf32, #tpu.memory_space<hbm>> -> memref<100000x32xf32, #tpu.memory_space<hbm>>
    tpu.enqueue_indirect_dma source(%dma_start3A_45 : memref<100000x32xf32, #tpu.memory_space<hbm>>) target(%dma_start3A_40 : memref<128x32xf32, #tpu.memory_space<vmem>>) offsets(%dma_start3A_42 : memref<128xi32, #tpu.memory_space<vmem>>) semaphore(%arg16 : memref<!tpu.dma_semaphore, #tpu.memory_space<semaphore_mem>>)
    %dma_start3A_46 = arith.constant 128 : i32
    %dma_start3A_47 = tpu.memref_slice %arg13[%dma_start3A_46] : memref<512xf32, #tpu.memory_space<vmem>> -> memref<128xf32, #tpu.memory_space<vmem>>
    %dma_start3A_48 = arith.constant 128 : i32
    %dma_start3A_49 = tpu.memref_slice %arg9[%dma_start3A_48] : memref<512xi32, #tpu.memory_space<vmem>> -> memref<128xi32, #tpu.memory_space<vmem>>
    %dma_start3A_50 = arith.constant 0 : i32
    %dma_start3A_51 = tpu.memref_slice %arg6[%dma_start3A_50] : memref<1000000xf32, #tpu.memory_space<hbm>> -> memref<1000000xf32, #tpu.memory_space<hbm>>
    tpu.enqueue_indirect_dma source(%dma_start3A_51 : memref<1000000xf32, #tpu.memory_space<hbm>>) target(%dma_start3A_47 : memref<128xf32, #tpu.memory_space<vmem>>) offsets(%dma_start3A_49 : memref<128xi32, #tpu.memory_space<vmem>>) semaphore(%arg16 : memref<!tpu.dma_semaphore, #tpu.memory_space<semaphore_mem>>)
    %dma_start3A_52 = arith.constant 128 : i32
    %dma_start3A_53 = tpu.memref_slice %arg14[%dma_start3A_52] : memref<512xf32, #tpu.memory_space<vmem>> -> memref<128xf32, #tpu.memory_space<vmem>>
    %dma_start3A_54 = arith.constant 128 : i32
    %dma_start3A_55 = tpu.memref_slice %arg10[%dma_start3A_54] : memref<512xi32, #tpu.memory_space<vmem>> -> memref<128xi32, #tpu.memory_space<vmem>>
    %dma_start3A_56 = arith.constant 0 : i32
    %dma_start3A_57 = tpu.memref_slice %arg7[%dma_start3A_56] : memref<100000xf32, #tpu.memory_space<hbm>> -> memref<100000xf32, #tpu.memory_space<hbm>>
    tpu.enqueue_indirect_dma source(%dma_start3A_57 : memref<100000xf32, #tpu.memory_space<hbm>>) target(%dma_start3A_53 : memref<128xf32, #tpu.memory_space<vmem>>) offsets(%dma_start3A_55 : memref<128xi32, #tpu.memory_space<vmem>>) semaphore(%arg16 : memref<!tpu.dma_semaphore, #tpu.memory_space<semaphore_mem>>)
    %dma_start3A_58 = arith.constant 256 : i32
    %dma_start3A_59 = arith.constant 0 : i32
    %dma_start3A_60 = tpu.memref_slice %arg11[%dma_start3A_58, %dma_start3A_59] : memref<512x32xf32, #tpu.memory_space<vmem>> -> memref<128x32xf32, #tpu.memory_space<vmem>>
    %dma_start3A_61 = arith.constant 256 : i32
    %dma_start3A_62 = tpu.memref_slice %arg9[%dma_start3A_61] : memref<512xi32, #tpu.memory_space<vmem>> -> memref<128xi32, #tpu.memory_space<vmem>>
    %dma_start3A_63 = arith.constant 0 : i32
    %dma_start3A_64 = arith.constant 0 : i32
    %dma_start3A_65 = tpu.memref_slice %arg4[%dma_start3A_63, %dma_start3A_64] : memref<1000000x32xf32, #tpu.memory_space<hbm>> -> memref<1000000x32xf32, #tpu.memory_space<hbm>>
    tpu.enqueue_indirect_dma source(%dma_start3A_65 : memref<1000000x32xf32, #tpu.memory_space<hbm>>) target(%dma_start3A_60 : memref<128x32xf32, #tpu.memory_space<vmem>>) offsets(%dma_start3A_62 : memref<128xi32, #tpu.memory_space<vmem>>) semaphore(%arg16 : memref<!tpu.dma_semaphore, #tpu.memory_space<semaphore_mem>>)
    %dma_start3A_66 = arith.constant 256 : i32
    %dma_start3A_67 = arith.constant 0 : i32
    %dma_start3A_68 = tpu.memref_slice %arg12[%dma_start3A_66, %dma_start3A_67] : memref<512x32xf32, #tpu.memory_space<vmem>> -> memref<128x32xf32, #tpu.memory_space<vmem>>
    %dma_start3A_69 = arith.constant 256 : i32
    %dma_start3A_70 = tpu.memref_slice %arg10[%dma_start3A_69] : memref<512xi32, #tpu.memory_space<vmem>> -> memref<128xi32, #tpu.memory_space<vmem>>
    %dma_start3A_71 = arith.constant 0 : i32
    %dma_start3A_72 = arith.constant 0 : i32
    %dma_start3A_73 = tpu.memref_slice %arg5[%dma_start3A_71, %dma_start3A_72] : memref<100000x32xf32, #tpu.memory_space<hbm>> -> memref<100000x32xf32, #tpu.memory_space<hbm>>
    tpu.enqueue_indirect_dma source(%dma_start3A_73 : memref<100000x32xf32, #tpu.memory_space<hbm>>) target(%dma_start3A_68 : memref<128x32xf32, #tpu.memory_space<vmem>>) offsets(%dma_start3A_70 : memref<128xi32, #tpu.memory_space<vmem>>) semaphore(%arg16 : memref<!tpu.dma_semaphore, #tpu.memory_space<semaphore_mem>>)
    %dma_start3A_74 = arith.constant 256 : i32
    %dma_start3A_75 = tpu.memref_slice %arg13[%dma_start3A_74] : memref<512xf32, #tpu.memory_space<vmem>> -> memref<128xf32, #tpu.memory_space<vmem>>
    %dma_start3A_76 = arith.constant 256 : i32
    %dma_start3A_77 = tpu.memref_slice %arg9[%dma_start3A_76] : memref<512xi32, #tpu.memory_space<vmem>> -> memref<128xi32, #tpu.memory_space<vmem>>
    %dma_start3A_78 = arith.constant 0 : i32
    %dma_start3A_79 = tpu.memref_slice %arg6[%dma_start3A_78] : memref<1000000xf32, #tpu.memory_space<hbm>> -> memref<1000000xf32, #tpu.memory_space<hbm>>
    tpu.enqueue_indirect_dma source(%dma_start3A_79 : memref<1000000xf32, #tpu.memory_space<hbm>>) target(%dma_start3A_75 : memref<128xf32, #tpu.memory_space<vmem>>) offsets(%dma_start3A_77 : memref<128xi32, #tpu.memory_space<vmem>>) semaphore(%arg16 : memref<!tpu.dma_semaphore, #tpu.memory_space<semaphore_mem>>)
    %dma_start3A_80 = arith.constant 256 : i32
    %dma_start3A_81 = tpu.memref_slice %arg14[%dma_start3A_80] : memref<512xf32, #tpu.memory_space<vmem>> -> memref<128xf32, #tpu.memory_space<vmem>>
    %dma_start3A_82 = arith.constant 256 : i32
    %dma_start3A_83 = tpu.memref_slice %arg10[%dma_start3A_82] : memref<512xi32, #tpu.memory_space<vmem>> -> memref<128xi32, #tpu.memory_space<vmem>>
    %dma_start3A_84 = arith.constant 0 : i32
    %dma_start3A_85 = tpu.memref_slice %arg7[%dma_start3A_84] : memref<100000xf32, #tpu.memory_space<hbm>> -> memref<100000xf32, #tpu.memory_space<hbm>>
    tpu.enqueue_indirect_dma source(%dma_start3A_85 : memref<100000xf32, #tpu.memory_space<hbm>>) target(%dma_start3A_81 : memref<128xf32, #tpu.memory_space<vmem>>) offsets(%dma_start3A_83 : memref<128xi32, #tpu.memory_space<vmem>>) semaphore(%arg16 : memref<!tpu.dma_semaphore, #tpu.memory_space<semaphore_mem>>)
    %dma_start3A_86 = arith.constant 384 : i32
    %dma_start3A_87 = arith.constant 0 : i32
    %dma_start3A_88 = tpu.memref_slice %arg11[%dma_start3A_86, %dma_start3A_87] : memref<512x32xf32, #tpu.memory_space<vmem>> -> memref<128x32xf32, #tpu.memory_space<vmem>>
    %dma_start3A_89 = arith.constant 384 : i32
    %dma_start3A_90 = tpu.memref_slice %arg9[%dma_start3A_89] : memref<512xi32, #tpu.memory_space<vmem>> -> memref<128xi32, #tpu.memory_space<vmem>>
    %dma_start3A_91 = arith.constant 0 : i32
    %dma_start3A_92 = arith.constant 0 : i32
    %dma_start3A_93 = tpu.memref_slice %arg4[%dma_start3A_91, %dma_start3A_92] : memref<1000000x32xf32, #tpu.memory_space<hbm>> -> memref<1000000x32xf32, #tpu.memory_space<hbm>>
    tpu.enqueue_indirect_dma source(%dma_start3A_93 : memref<1000000x32xf32, #tpu.memory_space<hbm>>) target(%dma_start3A_88 : memref<128x32xf32, #tpu.memory_space<vmem>>) offsets(%dma_start3A_90 : memref<128xi32, #tpu.memory_space<vmem>>) semaphore(%arg16 : memref<!tpu.dma_semaphore, #tpu.memory_space<semaphore_mem>>)
    %dma_start3A_94 = arith.constant 384 : i32
    %dma_start3A_95 = arith.constant 0 : i32
    %dma_start3A_96 = tpu.memref_slice %arg12[%dma_start3A_94, %dma_start3A_95] : memref<512x32xf32, #tpu.memory_space<vmem>> -> memref<128x32xf32, #tpu.memory_space<vmem>>
    %dma_start3A_97 = arith.constant 384 : i32
    %dma_start3A_98 = tpu.memref_slice %arg10[%dma_start3A_97] : memref<512xi32, #tpu.memory_space<vmem>> -> memref<128xi32, #tpu.memory_space<vmem>>
    %dma_start3A_99 = arith.constant 0 : i32
    %dma_start3A_100 = arith.constant 0 : i32
    %dma_start3A_101 = tpu.memref_slice %arg5[%dma_start3A_99, %dma_start3A_100] : memref<100000x32xf32, #tpu.memory_space<hbm>> -> memref<100000x32xf32, #tpu.memory_space<hbm>>
    tpu.enqueue_indirect_dma source(%dma_start3A_101 : memref<100000x32xf32, #tpu.memory_space<hbm>>) target(%dma_start3A_96 : memref<128x32xf32, #tpu.memory_space<vmem>>) offsets(%dma_start3A_98 : memref<128xi32, #tpu.memory_space<vmem>>) semaphore(%arg16 : memref<!tpu.dma_semaphore, #tpu.memory_space<semaphore_mem>>)
    %dma_start3A_102 = arith.constant 384 : i32
    %dma_start3A_103 = tpu.memref_slice %arg13[%dma_start3A_102] : memref<512xf32, #tpu.memory_space<vmem>> -> memref<128xf32, #tpu.memory_space<vmem>>
    %dma_start3A_104 = arith.constant 384 : i32
    %dma_start3A_105 = tpu.memref_slice %arg9[%dma_start3A_104] : memref<512xi32, #tpu.memory_space<vmem>> -> memref<128xi32, #tpu.memory_space<vmem>>
    %dma_start3A_106 = arith.constant 0 : i32
    %dma_start3A_107 = tpu.memref_slice %arg6[%dma_start3A_106] : memref<1000000xf32, #tpu.memory_space<hbm>> -> memref<1000000xf32, #tpu.memory_space<hbm>>
    tpu.enqueue_indirect_dma source(%dma_start3A_107 : memref<1000000xf32, #tpu.memory_space<hbm>>) target(%dma_start3A_103 : memref<128xf32, #tpu.memory_space<vmem>>) offsets(%dma_start3A_105 : memref<128xi32, #tpu.memory_space<vmem>>) semaphore(%arg16 : memref<!tpu.dma_semaphore, #tpu.memory_space<semaphore_mem>>)
    %dma_start3A_108 = arith.constant 384 : i32
    %dma_start3A_109 = tpu.memref_slice %arg14[%dma_start3A_108] : memref<512xf32, #tpu.memory_space<vmem>> -> memref<128xf32, #tpu.memory_space<vmem>>
    %dma_start3A_110 = arith.constant 384 : i32
    %dma_start3A_111 = tpu.memref_slice %arg10[%dma_start3A_110] : memref<512xi32, #tpu.memory_space<vmem>> -> memref<128xi32, #tpu.memory_space<vmem>>
    %dma_start3A_112 = arith.constant 0 : i32
    %dma_start3A_113 = tpu.memref_slice %arg7[%dma_start3A_112] : memref<100000xf32, #tpu.memory_space<hbm>> -> memref<100000xf32, #tpu.memory_space<hbm>>
    tpu.enqueue_indirect_dma source(%dma_start3A_113 : memref<100000xf32, #tpu.memory_space<hbm>>) target(%dma_start3A_109 : memref<128xf32, #tpu.memory_space<vmem>>) offsets(%dma_start3A_111 : memref<128xi32, #tpu.memory_space<vmem>>) semaphore(%arg16 : memref<!tpu.dma_semaphore, #tpu.memory_space<semaphore_mem>>)
    %dma_wait3A = arith.constant 0 : i32
    %dma_wait3A_114 = arith.constant 0 : i32
    %dma_wait3A_115 = tpu.memref_slice %arg11[%dma_wait3A, %dma_wait3A_114] : memref<512x32xf32, #tpu.memory_space<vmem>> -> memref<128x32xf32, #tpu.memory_space<vmem>>
    %dma_wait3A_116 = arith.constant 0 : i32
    %dma_wait3A_117 = tpu.memref_slice %arg9[%dma_wait3A_116] : memref<512xi32, #tpu.memory_space<vmem>> -> memref<128xi32, #tpu.memory_space<vmem>>
    %dma_wait3A_118 = arith.constant 0 : i32
    %dma_wait3A_119 = arith.constant 0 : i32
    %dma_wait3A_120 = tpu.memref_slice %arg4[%dma_wait3A_118, %dma_wait3A_119] : memref<1000000x32xf32, #tpu.memory_space<hbm>> -> memref<1000000x32xf32, #tpu.memory_space<hbm>>
    tpu.wait_indirect_dma semaphore(%arg16 : memref<!tpu.dma_semaphore, #tpu.memory_space<semaphore_mem>>) src(%dma_wait3A_120 : memref<1000000x32xf32, #tpu.memory_space<hbm>>) dst(%dma_wait3A_115 : memref<128x32xf32, #tpu.memory_space<vmem>>)
    %dma_wait3A_121 = arith.constant 0 : i32
    %dma_wait3A_122 = arith.constant 0 : i32
    %dma_wait3A_123 = tpu.memref_slice %arg12[%dma_wait3A_121, %dma_wait3A_122] : memref<512x32xf32, #tpu.memory_space<vmem>> -> memref<128x32xf32, #tpu.memory_space<vmem>>
    %dma_wait3A_124 = arith.constant 0 : i32
    %dma_wait3A_125 = tpu.memref_slice %arg10[%dma_wait3A_124] : memref<512xi32, #tpu.memory_space<vmem>> -> memref<128xi32, #tpu.memory_space<vmem>>
    %dma_wait3A_126 = arith.constant 0 : i32
    %dma_wait3A_127 = arith.constant 0 : i32
    %dma_wait3A_128 = tpu.memref_slice %arg5[%dma_wait3A_126, %dma_wait3A_127] : memref<100000x32xf32, #tpu.memory_space<hbm>> -> memref<100000x32xf32, #tpu.memory_space<hbm>>
    tpu.wait_indirect_dma semaphore(%arg16 : memref<!tpu.dma_semaphore, #tpu.memory_space<semaphore_mem>>) src(%dma_wait3A_128 : memref<100000x32xf32, #tpu.memory_space<hbm>>) dst(%dma_wait3A_123 : memref<128x32xf32, #tpu.memory_space<vmem>>)
    %dma_wait3A_129 = arith.constant 0 : i32
    %dma_wait3A_130 = tpu.memref_slice %arg13[%dma_wait3A_129] : memref<512xf32, #tpu.memory_space<vmem>> -> memref<128xf32, #tpu.memory_space<vmem>>
    %dma_wait3A_131 = arith.constant 0 : i32
    %dma_wait3A_132 = tpu.memref_slice %arg9[%dma_wait3A_131] : memref<512xi32, #tpu.memory_space<vmem>> -> memref<128xi32, #tpu.memory_space<vmem>>
    %dma_wait3A_133 = arith.constant 0 : i32
    %dma_wait3A_134 = tpu.memref_slice %arg6[%dma_wait3A_133] : memref<1000000xf32, #tpu.memory_space<hbm>> -> memref<1000000xf32, #tpu.memory_space<hbm>>
    tpu.wait_indirect_dma semaphore(%arg16 : memref<!tpu.dma_semaphore, #tpu.memory_space<semaphore_mem>>) src(%dma_wait3A_134 : memref<1000000xf32, #tpu.memory_space<hbm>>) dst(%dma_wait3A_130 : memref<128xf32, #tpu.memory_space<vmem>>)
    %dma_wait3A_135 = arith.constant 0 : i32
    %dma_wait3A_136 = tpu.memref_slice %arg14[%dma_wait3A_135] : memref<512xf32, #tpu.memory_space<vmem>> -> memref<128xf32, #tpu.memory_space<vmem>>
    %dma_wait3A_137 = arith.constant 0 : i32
    %dma_wait3A_138 = tpu.memref_slice %arg10[%dma_wait3A_137] : memref<512xi32, #tpu.memory_space<vmem>> -> memref<128xi32, #tpu.memory_space<vmem>>
    %dma_wait3A_139 = arith.constant 0 : i32
    %dma_wait3A_140 = tpu.memref_slice %arg7[%dma_wait3A_139] : memref<100000xf32, #tpu.memory_space<hbm>> -> memref<100000xf32, #tpu.memory_space<hbm>>
    tpu.wait_indirect_dma semaphore(%arg16 : memref<!tpu.dma_semaphore, #tpu.memory_space<semaphore_mem>>) src(%dma_wait3A_140 : memref<100000xf32, #tpu.memory_space<hbm>>) dst(%dma_wait3A_136 : memref<128xf32, #tpu.memory_space<vmem>>)
    %dma_wait3A_141 = arith.constant 128 : i32
    %dma_wait3A_142 = arith.constant 0 : i32
    %dma_wait3A_143 = tpu.memref_slice %arg11[%dma_wait3A_141, %dma_wait3A_142] : memref<512x32xf32, #tpu.memory_space<vmem>> -> memref<128x32xf32, #tpu.memory_space<vmem>>
    %dma_wait3A_144 = arith.constant 128 : i32
    %dma_wait3A_145 = tpu.memref_slice %arg9[%dma_wait3A_144] : memref<512xi32, #tpu.memory_space<vmem>> -> memref<128xi32, #tpu.memory_space<vmem>>
    %dma_wait3A_146 = arith.constant 0 : i32
    %dma_wait3A_147 = arith.constant 0 : i32
    %dma_wait3A_148 = tpu.memref_slice %arg4[%dma_wait3A_146, %dma_wait3A_147] : memref<1000000x32xf32, #tpu.memory_space<hbm>> -> memref<1000000x32xf32, #tpu.memory_space<hbm>>
    tpu.wait_indirect_dma semaphore(%arg16 : memref<!tpu.dma_semaphore, #tpu.memory_space<semaphore_mem>>) src(%dma_wait3A_148 : memref<1000000x32xf32, #tpu.memory_space<hbm>>) dst(%dma_wait3A_143 : memref<128x32xf32, #tpu.memory_space<vmem>>)
    %dma_wait3A_149 = arith.constant 128 : i32
    %dma_wait3A_150 = arith.constant 0 : i32
    %dma_wait3A_151 = tpu.memref_slice %arg12[%dma_wait3A_149, %dma_wait3A_150] : memref<512x32xf32, #tpu.memory_space<vmem>> -> memref<128x32xf32, #tpu.memory_space<vmem>>
    %dma_wait3A_152 = arith.constant 128 : i32
    %dma_wait3A_153 = tpu.memref_slice %arg10[%dma_wait3A_152] : memref<512xi32, #tpu.memory_space<vmem>> -> memref<128xi32, #tpu.memory_space<vmem>>
    %dma_wait3A_154 = arith.constant 0 : i32
    %dma_wait3A_155 = arith.constant 0 : i32
    %dma_wait3A_156 = tpu.memref_slice %arg5[%dma_wait3A_154, %dma_wait3A_155] : memref<100000x32xf32, #tpu.memory_space<hbm>> -> memref<100000x32xf32, #tpu.memory_space<hbm>>
    tpu.wait_indirect_dma semaphore(%arg16 : memref<!tpu.dma_semaphore, #tpu.memory_space<semaphore_mem>>) src(%dma_wait3A_156 : memref<100000x32xf32, #tpu.memory_space<hbm>>) dst(%dma_wait3A_151 : memref<128x32xf32, #tpu.memory_space<vmem>>)
    %dma_wait3A_157 = arith.constant 128 : i32
    %dma_wait3A_158 = tpu.memref_slice %arg13[%dma_wait3A_157] : memref<512xf32, #tpu.memory_space<vmem>> -> memref<128xf32, #tpu.memory_space<vmem>>
    %dma_wait3A_159 = arith.constant 128 : i32
    %dma_wait3A_160 = tpu.memref_slice %arg9[%dma_wait3A_159] : memref<512xi32, #tpu.memory_space<vmem>> -> memref<128xi32, #tpu.memory_space<vmem>>
    %dma_wait3A_161 = arith.constant 0 : i32
    %dma_wait3A_162 = tpu.memref_slice %arg6[%dma_wait3A_161] : memref<1000000xf32, #tpu.memory_space<hbm>> -> memref<1000000xf32, #tpu.memory_space<hbm>>
    tpu.wait_indirect_dma semaphore(%arg16 : memref<!tpu.dma_semaphore, #tpu.memory_space<semaphore_mem>>) src(%dma_wait3A_162 : memref<1000000xf32, #tpu.memory_space<hbm>>) dst(%dma_wait3A_158 : memref<128xf32, #tpu.memory_space<vmem>>)
    %dma_wait3A_163 = arith.constant 128 : i32
    %dma_wait3A_164 = tpu.memref_slice %arg14[%dma_wait3A_163] : memref<512xf32, #tpu.memory_space<vmem>> -> memref<128xf32, #tpu.memory_space<vmem>>
    %dma_wait3A_165 = arith.constant 128 : i32
    %dma_wait3A_166 = tpu.memref_slice %arg10[%dma_wait3A_165] : memref<512xi32, #tpu.memory_space<vmem>> -> memref<128xi32, #tpu.memory_space<vmem>>
    %dma_wait3A_167 = arith.constant 0 : i32
    %dma_wait3A_168 = tpu.memref_slice %arg7[%dma_wait3A_167] : memref<100000xf32, #tpu.memory_space<hbm>> -> memref<100000xf32, #tpu.memory_space<hbm>>
    tpu.wait_indirect_dma semaphore(%arg16 : memref<!tpu.dma_semaphore, #tpu.memory_space<semaphore_mem>>) src(%dma_wait3A_168 : memref<100000xf32, #tpu.memory_space<hbm>>) dst(%dma_wait3A_164 : memref<128xf32, #tpu.memory_space<vmem>>)
    %dma_wait3A_169 = arith.constant 256 : i32
    %dma_wait3A_170 = arith.constant 0 : i32
    %dma_wait3A_171 = tpu.memref_slice %arg11[%dma_wait3A_169, %dma_wait3A_170] : memref<512x32xf32, #tpu.memory_space<vmem>> -> memref<128x32xf32, #tpu.memory_space<vmem>>
    %dma_wait3A_172 = arith.constant 256 : i32
    %dma_wait3A_173 = tpu.memref_slice %arg9[%dma_wait3A_172] : memref<512xi32, #tpu.memory_space<vmem>> -> memref<128xi32, #tpu.memory_space<vmem>>
    %dma_wait3A_174 = arith.constant 0 : i32
    %dma_wait3A_175 = arith.constant 0 : i32
    %dma_wait3A_176 = tpu.memref_slice %arg4[%dma_wait3A_174, %dma_wait3A_175] : memref<1000000x32xf32, #tpu.memory_space<hbm>> -> memref<1000000x32xf32, #tpu.memory_space<hbm>>
    tpu.wait_indirect_dma semaphore(%arg16 : memref<!tpu.dma_semaphore, #tpu.memory_space<semaphore_mem>>) src(%dma_wait3A_176 : memref<1000000x32xf32, #tpu.memory_space<hbm>>) dst(%dma_wait3A_171 : memref<128x32xf32, #tpu.memory_space<vmem>>)
    %dma_wait3A_177 = arith.constant 256 : i32
    %dma_wait3A_178 = arith.constant 0 : i32
    %dma_wait3A_179 = tpu.memref_slice %arg12[%dma_wait3A_177, %dma_wait3A_178] : memref<512x32xf32, #tpu.memory_space<vmem>> -> memref<128x32xf32, #tpu.memory_space<vmem>>
    %dma_wait3A_180 = arith.constant 256 : i32
    %dma_wait3A_181 = tpu.memref_slice %arg10[%dma_wait3A_180] : memref<512xi32, #tpu.memory_space<vmem>> -> memref<128xi32, #tpu.memory_space<vmem>>
    %dma_wait3A_182 = arith.constant 0 : i32
    %dma_wait3A_183 = arith.constant 0 : i32
    %dma_wait3A_184 = tpu.memref_slice %arg5[%dma_wait3A_182, %dma_wait3A_183] : memref<100000x32xf32, #tpu.memory_space<hbm>> -> memref<100000x32xf32, #tpu.memory_space<hbm>>
    tpu.wait_indirect_dma semaphore(%arg16 : memref<!tpu.dma_semaphore, #tpu.memory_space<semaphore_mem>>) src(%dma_wait3A_184 : memref<100000x32xf32, #tpu.memory_space<hbm>>) dst(%dma_wait3A_179 : memref<128x32xf32, #tpu.memory_space<vmem>>)
    %dma_wait3A_185 = arith.constant 256 : i32
    %dma_wait3A_186 = tpu.memref_slice %arg13[%dma_wait3A_185] : memref<512xf32, #tpu.memory_space<vmem>> -> memref<128xf32, #tpu.memory_space<vmem>>
    %dma_wait3A_187 = arith.constant 256 : i32
    %dma_wait3A_188 = tpu.memref_slice %arg9[%dma_wait3A_187] : memref<512xi32, #tpu.memory_space<vmem>> -> memref<128xi32, #tpu.memory_space<vmem>>
    %dma_wait3A_189 = arith.constant 0 : i32
    %dma_wait3A_190 = tpu.memref_slice %arg6[%dma_wait3A_189] : memref<1000000xf32, #tpu.memory_space<hbm>> -> memref<1000000xf32, #tpu.memory_space<hbm>>
    tpu.wait_indirect_dma semaphore(%arg16 : memref<!tpu.dma_semaphore, #tpu.memory_space<semaphore_mem>>) src(%dma_wait3A_190 : memref<1000000xf32, #tpu.memory_space<hbm>>) dst(%dma_wait3A_186 : memref<128xf32, #tpu.memory_space<vmem>>)
    %dma_wait3A_191 = arith.constant 256 : i32
    %dma_wait3A_192 = tpu.memref_slice %arg14[%dma_wait3A_191] : memref<512xf32, #tpu.memory_space<vmem>> -> memref<128xf32, #tpu.memory_space<vmem>>
    %dma_wait3A_193 = arith.constant 256 : i32
    %dma_wait3A_194 = tpu.memref_slice %arg10[%dma_wait3A_193] : memref<512xi32, #tpu.memory_space<vmem>> -> memref<128xi32, #tpu.memory_space<vmem>>
    %dma_wait3A_195 = arith.constant 0 : i32
    %dma_wait3A_196 = tpu.memref_slice %arg7[%dma_wait3A_195] : memref<100000xf32, #tpu.memory_space<hbm>> -> memref<100000xf32, #tpu.memory_space<hbm>>
    tpu.wait_indirect_dma semaphore(%arg16 : memref<!tpu.dma_semaphore, #tpu.memory_space<semaphore_mem>>) src(%dma_wait3A_196 : memref<100000xf32, #tpu.memory_space<hbm>>) dst(%dma_wait3A_192 : memref<128xf32, #tpu.memory_space<vmem>>)
    %dma_wait3A_197 = arith.constant 384 : i32
    %dma_wait3A_198 = arith.constant 0 : i32
    %dma_wait3A_199 = tpu.memref_slice %arg11[%dma_wait3A_197, %dma_wait3A_198] : memref<512x32xf32, #tpu.memory_space<vmem>> -> memref<128x32xf32, #tpu.memory_space<vmem>>
    %dma_wait3A_200 = arith.constant 384 : i32
    %dma_wait3A_201 = tpu.memref_slice %arg9[%dma_wait3A_200] : memref<512xi32, #tpu.memory_space<vmem>> -> memref<128xi32, #tpu.memory_space<vmem>>
    %dma_wait3A_202 = arith.constant 0 : i32
    %dma_wait3A_203 = arith.constant 0 : i32
    %dma_wait3A_204 = tpu.memref_slice %arg4[%dma_wait3A_202, %dma_wait3A_203] : memref<1000000x32xf32, #tpu.memory_space<hbm>> -> memref<1000000x32xf32, #tpu.memory_space<hbm>>
    tpu.wait_indirect_dma semaphore(%arg16 : memref<!tpu.dma_semaphore, #tpu.memory_space<semaphore_mem>>) src(%dma_wait3A_204 : memref<1000000x32xf32, #tpu.memory_space<hbm>>) dst(%dma_wait3A_199 : memref<128x32xf32, #tpu.memory_space<vmem>>)
    %dma_wait3A_205 = arith.constant 384 : i32
    %dma_wait3A_206 = arith.constant 0 : i32
    %dma_wait3A_207 = tpu.memref_slice %arg12[%dma_wait3A_205, %dma_wait3A_206] : memref<512x32xf32, #tpu.memory_space<vmem>> -> memref<128x32xf32, #tpu.memory_space<vmem>>
    %dma_wait3A_208 = arith.constant 384 : i32
    %dma_wait3A_209 = tpu.memref_slice %arg10[%dma_wait3A_208] : memref<512xi32, #tpu.memory_space<vmem>> -> memref<128xi32, #tpu.memory_space<vmem>>
    %dma_wait3A_210 = arith.constant 0 : i32
    %dma_wait3A_211 = arith.constant 0 : i32
    %dma_wait3A_212 = tpu.memref_slice %arg5[%dma_wait3A_210, %dma_wait3A_211] : memref<100000x32xf32, #tpu.memory_space<hbm>> -> memref<100000x32xf32, #tpu.memory_space<hbm>>
    tpu.wait_indirect_dma semaphore(%arg16 : memref<!tpu.dma_semaphore, #tpu.memory_space<semaphore_mem>>) src(%dma_wait3A_212 : memref<100000x32xf32, #tpu.memory_space<hbm>>) dst(%dma_wait3A_207 : memref<128x32xf32, #tpu.memory_space<vmem>>)
    %dma_wait3A_213 = arith.constant 384 : i32
    %dma_wait3A_214 = tpu.memref_slice %arg13[%dma_wait3A_213] : memref<512xf32, #tpu.memory_space<vmem>> -> memref<128xf32, #tpu.memory_space<vmem>>
    %dma_wait3A_215 = arith.constant 384 : i32
    %dma_wait3A_216 = tpu.memref_slice %arg9[%dma_wait3A_215] : memref<512xi32, #tpu.memory_space<vmem>> -> memref<128xi32, #tpu.memory_space<vmem>>
    %dma_wait3A_217 = arith.constant 0 : i32
    %dma_wait3A_218 = tpu.memref_slice %arg6[%dma_wait3A_217] : memref<1000000xf32, #tpu.memory_space<hbm>> -> memref<1000000xf32, #tpu.memory_space<hbm>>
    tpu.wait_indirect_dma semaphore(%arg16 : memref<!tpu.dma_semaphore, #tpu.memory_space<semaphore_mem>>) src(%dma_wait3A_218 : memref<1000000xf32, #tpu.memory_space<hbm>>) dst(%dma_wait3A_214 : memref<128xf32, #tpu.memory_space<vmem>>)
    %dma_wait3A_219 = arith.constant 384 : i32
    %dma_wait3A_220 = tpu.memref_slice %arg14[%dma_wait3A_219] : memref<512xf32, #tpu.memory_space<vmem>> -> memref<128xf32, #tpu.memory_space<vmem>>
    %dma_wait3A_221 = arith.constant 384 : i32
    %dma_wait3A_222 = tpu.memref_slice %arg10[%dma_wait3A_221] : memref<512xi32, #tpu.memory_space<vmem>> -> memref<128xi32, #tpu.memory_space<vmem>>
    %dma_wait3A_223 = arith.constant 0 : i32
    %dma_wait3A_224 = tpu.memref_slice %arg7[%dma_wait3A_223] : memref<100000xf32, #tpu.memory_space<hbm>> -> memref<100000xf32, #tpu.memory_space<hbm>>
    tpu.wait_indirect_dma semaphore(%arg16 : memref<!tpu.dma_semaphore, #tpu.memory_space<semaphore_mem>>) src(%dma_wait3A_224 : memref<100000xf32, #tpu.memory_space<hbm>>) dst(%dma_wait3A_220 : memref<128xf32, #tpu.memory_space<vmem>>)
    %iota3A = tpu.iota {dimensions = array<i32: 0>} : vector<16xi32>
    %add3A_225 = arith.constant 0 : i32
    %add3A_226 = vector.broadcast %add3A_225 : i32 to vector<16xi32>
    %add3A_227 = arith.addi %iota3A, %add3A_226 : vector<16xi32>
    %jit3A = arith.constant 32 : i32
    %eq3A = arith.constant 0 : i32
    %eq3A_228 = arith.cmpi eq, %jit3A, %eq3A : i32
    %jit3A_229 = arith.constant 1 : i32
    %select_n3A = arith.select %eq3A_228, %jit3A_229, %jit3A : i32
    %rem3A = vector.broadcast %select_n3A : i32 to vector<16xi32>
    %rem3A_230 = arith.remsi %add3A_227, %rem3A : vector<16xi32>
    %ne3A = arith.constant 0 : i32
    %ne3A_231 = vector.broadcast %ne3A : i32 to vector<16xi32>
    %ne3A_232 = arith.cmpi ne, %rem3A_230, %ne3A_231 : vector<16xi32>
    %lt3A = arith.constant 0 : i32
    %lt3A_233 = vector.broadcast %lt3A : i32 to vector<16xi32>
    %lt3A_234 = arith.cmpi slt, %rem3A_230, %lt3A_233 : vector<16xi32>
    %lt3A_235 = arith.constant 0 : i32
    %lt3A_236 = arith.cmpi slt, %select_n3A, %lt3A_235 : i32
    %ne3A_237 = vector.broadcast %lt3A_236 : i1 to vector<16xi1>
    %ne3A_238 = vector.broadcast %ne3A_237 : vector<16xi1> to vector<16xi1>
    %ne3A_239 = arith.xori %lt3A_234, %ne3A_238 : vector<16xi1>
    %and3A = arith.andi %ne3A_239, %ne3A_232 : vector<16xi1>
    %add3A_240 = vector.broadcast %select_n3A : i32 to vector<16xi32>
    %add3A_241 = arith.addi %rem3A_230, %add3A_240 : vector<16xi32>
    %select_n3A_242 = arith.select %and3A, %add3A_241, %rem3A_230 : vector<16xi1>, vector<16xi32>
    %add3A_243 = arith.constant 1 : i32
    %add3A_244 = vector.broadcast %add3A_243 : i32 to vector<16xi32>
    %add3A_245 = arith.addi %iota3A, %add3A_244 : vector<16xi32>
    %jit3A_246 = arith.constant 32 : i32
    %eq3A_247 = arith.constant 0 : i32
    %eq3A_248 = arith.cmpi eq, %jit3A_246, %eq3A_247 : i32
    %jit3A_249 = arith.constant 1 : i32
    %select_n3A_250 = arith.select %eq3A_248, %jit3A_249, %jit3A_246 : i32
    %rem3A_251 = vector.broadcast %select_n3A_250 : i32 to vector<16xi32>
    %rem3A_252 = arith.remsi %add3A_245, %rem3A_251 : vector<16xi32>
    %ne3A_253 = arith.constant 0 : i32
    %ne3A_254 = vector.broadcast %ne3A_253 : i32 to vector<16xi32>
    %ne3A_255 = arith.cmpi ne, %rem3A_252, %ne3A_254 : vector<16xi32>
    %lt3A_256 = arith.constant 0 : i32
    %lt3A_257 = vector.broadcast %lt3A_256 : i32 to vector<16xi32>
    %lt3A_258 = arith.cmpi slt, %rem3A_252, %lt3A_257 : vector<16xi32>
    %lt3A_259 = arith.constant 0 : i32
    %lt3A_260 = arith.cmpi slt, %select_n3A_250, %lt3A_259 : i32
    %ne3A_261 = vector.broadcast %lt3A_260 : i1 to vector<16xi1>
    %ne3A_262 = vector.broadcast %ne3A_261 : vector<16xi1> to vector<16xi1>
    %ne3A_263 = arith.xori %lt3A_258, %ne3A_262 : vector<16xi1>
    %and3A_264 = arith.andi %ne3A_263, %ne3A_255 : vector<16xi1>
    %add3A_265 = vector.broadcast %select_n3A_250 : i32 to vector<16xi32>
    %add3A_266 = arith.addi %rem3A_252, %add3A_265 : vector<16xi32>
    %select_n3A_267 = arith.select %and3A_264, %add3A_266, %rem3A_252 : vector<16xi1>, vector<16xi32>
    %add3A_268 = arith.constant 2 : i32
    %add3A_269 = vector.broadcast %add3A_268 : i32 to vector<16xi32>
    %add3A_270 = arith.addi %iota3A, %add3A_269 : vector<16xi32>
    %jit3A_271 = arith.constant 32 : i32
    %eq3A_272 = arith.constant 0 : i32
    %eq3A_273 = arith.cmpi eq, %jit3A_271, %eq3A_272 : i32
    %jit3A_274 = arith.constant 1 : i32
    %select_n3A_275 = arith.select %eq3A_273, %jit3A_274, %jit3A_271 : i32
    %rem3A_276 = vector.broadcast %select_n3A_275 : i32 to vector<16xi32>
    %rem3A_277 = arith.remsi %add3A_270, %rem3A_276 : vector<16xi32>
    %ne3A_278 = arith.constant 0 : i32
    %ne3A_279 = vector.broadcast %ne3A_278 : i32 to vector<16xi32>
    %ne3A_280 = arith.cmpi ne, %rem3A_277, %ne3A_279 : vector<16xi32>
    %lt3A_281 = arith.constant 0 : i32
    %lt3A_282 = vector.broadcast %lt3A_281 : i32 to vector<16xi32>
    %lt3A_283 = arith.cmpi slt, %rem3A_277, %lt3A_282 : vector<16xi32>
    %lt3A_284 = arith.constant 0 : i32
    %lt3A_285 = arith.cmpi slt, %select_n3A_275, %lt3A_284 : i32
    %ne3A_286 = vector.broadcast %lt3A_285 : i1 to vector<16xi1>
    %ne3A_287 = vector.broadcast %ne3A_286 : vector<16xi1> to vector<16xi1>
    %ne3A_288 = arith.xori %lt3A_283, %ne3A_287 : vector<16xi1>
    %and3A_289 = arith.andi %ne3A_288, %ne3A_280 : vector<16xi1>
    %add3A_290 = vector.broadcast %select_n3A_275 : i32 to vector<16xi32>
    %add3A_291 = arith.addi %rem3A_277, %add3A_290 : vector<16xi32>
    %select_n3A_292 = arith.select %and3A_289, %add3A_291, %rem3A_277 : vector<16xi1>, vector<16xi32>
    %add3A_293 = arith.constant 3 : i32
    %add3A_294 = vector.broadcast %add3A_293 : i32 to vector<16xi32>
    %add3A_295 = arith.addi %iota3A, %add3A_294 : vector<16xi32>
    %jit3A_296 = arith.constant 32 : i32
    %eq3A_297 = arith.constant 0 : i32
    %eq3A_298 = arith.cmpi eq, %jit3A_296, %eq3A_297 : i32
    %jit3A_299 = arith.constant 1 : i32
    %select_n3A_300 = arith.select %eq3A_298, %jit3A_299, %jit3A_296 : i32
    %rem3A_301 = vector.broadcast %select_n3A_300 : i32 to vector<16xi32>
    %rem3A_302 = arith.remsi %add3A_295, %rem3A_301 : vector<16xi32>
    %ne3A_303 = arith.constant 0 : i32
    %ne3A_304 = vector.broadcast %ne3A_303 : i32 to vector<16xi32>
    %ne3A_305 = arith.cmpi ne, %rem3A_302, %ne3A_304 : vector<16xi32>
    %lt3A_306 = arith.constant 0 : i32
    %lt3A_307 = vector.broadcast %lt3A_306 : i32 to vector<16xi32>
    %lt3A_308 = arith.cmpi slt, %rem3A_302, %lt3A_307 : vector<16xi32>
    %lt3A_309 = arith.constant 0 : i32
    %lt3A_310 = arith.cmpi slt, %select_n3A_300, %lt3A_309 : i32
    %ne3A_311 = vector.broadcast %lt3A_310 : i1 to vector<16xi1>
    %ne3A_312 = vector.broadcast %ne3A_311 : vector<16xi1> to vector<16xi1>
    %ne3A_313 = arith.xori %lt3A_308, %ne3A_312 : vector<16xi1>
    %and3A_314 = arith.andi %ne3A_313, %ne3A_305 : vector<16xi1>
    %add3A_315 = vector.broadcast %select_n3A_300 : i32 to vector<16xi32>
    %add3A_316 = arith.addi %rem3A_302, %add3A_315 : vector<16xi32>
    %select_n3A_317 = arith.select %and3A_314, %add3A_316, %rem3A_302 : vector<16xi1>, vector<16xi32>
    %add3A_318 = arith.constant 4 : i32
    %add3A_319 = vector.broadcast %add3A_318 : i32 to vector<16xi32>
    %add3A_320 = arith.addi %iota3A, %add3A_319 : vector<16xi32>
    %jit3A_321 = arith.constant 32 : i32
    %eq3A_322 = arith.constant 0 : i32
    %eq3A_323 = arith.cmpi eq, %jit3A_321, %eq3A_322 : i32
    %jit3A_324 = arith.constant 1 : i32
    %select_n3A_325 = arith.select %eq3A_323, %jit3A_324, %jit3A_321 : i32
    %rem3A_326 = vector.broadcast %select_n3A_325 : i32 to vector<16xi32>
    %rem3A_327 = arith.remsi %add3A_320, %rem3A_326 : vector<16xi32>
    %ne3A_328 = arith.constant 0 : i32
    %ne3A_329 = vector.broadcast %ne3A_328 : i32 to vector<16xi32>
    %ne3A_330 = arith.cmpi ne, %rem3A_327, %ne3A_329 : vector<16xi32>
    %lt3A_331 = arith.constant 0 : i32
    %lt3A_332 = vector.broadcast %lt3A_331 : i32 to vector<16xi32>
    %lt3A_333 = arith.cmpi slt, %rem3A_327, %lt3A_332 : vector<16xi32>
    %lt3A_334 = arith.constant 0 : i32
    %lt3A_335 = arith.cmpi slt, %select_n3A_325, %lt3A_334 : i32
    %ne3A_336 = vector.broadcast %lt3A_335 : i1 to vector<16xi1>
    %ne3A_337 = vector.broadcast %ne3A_336 : vector<16xi1> to vector<16xi1>
    %ne3A_338 = arith.xori %lt3A_333, %ne3A_337 : vector<16xi1>
    %and3A_339 = arith.andi %ne3A_338, %ne3A_330 : vector<16xi1>
    %add3A_340 = vector.broadcast %select_n3A_325 : i32 to vector<16xi32>
    %add3A_341 = arith.addi %rem3A_327, %add3A_340 : vector<16xi32>
    %select_n3A_342 = arith.select %and3A_339, %add3A_341, %rem3A_327 : vector<16xi1>, vector<16xi32>
    %add3A_343 = arith.constant 5 : i32
    %add3A_344 = vector.broadcast %add3A_343 : i32 to vector<16xi32>
    %add3A_345 = arith.addi %iota3A, %add3A_344 : vector<16xi32>
    %jit3A_346 = arith.constant 32 : i32
    %eq3A_347 = arith.constant 0 : i32
    %eq3A_348 = arith.cmpi eq, %jit3A_346, %eq3A_347 : i32
    %jit3A_349 = arith.constant 1 : i32
    %select_n3A_350 = arith.select %eq3A_348, %jit3A_349, %jit3A_346 : i32
    %rem3A_351 = vector.broadcast %select_n3A_350 : i32 to vector<16xi32>
    %rem3A_352 = arith.remsi %add3A_345, %rem3A_351 : vector<16xi32>
    %ne3A_353 = arith.constant 0 : i32
    %ne3A_354 = vector.broadcast %ne3A_353 : i32 to vector<16xi32>
    %ne3A_355 = arith.cmpi ne, %rem3A_352, %ne3A_354 : vector<16xi32>
    %lt3A_356 = arith.constant 0 : i32
    %lt3A_357 = vector.broadcast %lt3A_356 : i32 to vector<16xi32>
    %lt3A_358 = arith.cmpi slt, %rem3A_352, %lt3A_357 : vector<16xi32>
    %lt3A_359 = arith.constant 0 : i32
    %lt3A_360 = arith.cmpi slt, %select_n3A_350, %lt3A_359 : i32
    %ne3A_361 = vector.broadcast %lt3A_360 : i1 to vector<16xi1>
    %ne3A_362 = vector.broadcast %ne3A_361 : vector<16xi1> to vector<16xi1>
    %ne3A_363 = arith.xori %lt3A_358, %ne3A_362 : vector<16xi1>
    %and3A_364 = arith.andi %ne3A_363, %ne3A_355 : vector<16xi1>
    %add3A_365 = vector.broadcast %select_n3A_350 : i32 to vector<16xi32>
    %add3A_366 = arith.addi %rem3A_352, %add3A_365 : vector<16xi32>
    %select_n3A_367 = arith.select %and3A_364, %add3A_366, %rem3A_352 : vector<16xi1>, vector<16xi32>
    %add3A_368 = arith.constant 6 : i32
    %add3A_369 = vector.broadcast %add3A_368 : i32 to vector<16xi32>
    %add3A_370 = arith.addi %iota3A, %add3A_369 : vector<16xi32>
    %jit3A_371 = arith.constant 32 : i32
    %eq3A_372 = arith.constant 0 : i32
    %eq3A_373 = arith.cmpi eq, %jit3A_371, %eq3A_372 : i32
    %jit3A_374 = arith.constant 1 : i32
    %select_n3A_375 = arith.select %eq3A_373, %jit3A_374, %jit3A_371 : i32
    %rem3A_376 = vector.broadcast %select_n3A_375 : i32 to vector<16xi32>
    %rem3A_377 = arith.remsi %add3A_370, %rem3A_376 : vector<16xi32>
    %ne3A_378 = arith.constant 0 : i32
    %ne3A_379 = vector.broadcast %ne3A_378 : i32 to vector<16xi32>
    %ne3A_380 = arith.cmpi ne, %rem3A_377, %ne3A_379 : vector<16xi32>
    %lt3A_381 = arith.constant 0 : i32
    %lt3A_382 = vector.broadcast %lt3A_381 : i32 to vector<16xi32>
    %lt3A_383 = arith.cmpi slt, %rem3A_377, %lt3A_382 : vector<16xi32>
    %lt3A_384 = arith.constant 0 : i32
    %lt3A_385 = arith.cmpi slt, %select_n3A_375, %lt3A_384 : i32
    %ne3A_386 = vector.broadcast %lt3A_385 : i1 to vector<16xi1>
    %ne3A_387 = vector.broadcast %ne3A_386 : vector<16xi1> to vector<16xi1>
    %ne3A_388 = arith.xori %lt3A_383, %ne3A_387 : vector<16xi1>
    %and3A_389 = arith.andi %ne3A_388, %ne3A_380 : vector<16xi1>
    %add3A_390 = vector.broadcast %select_n3A_375 : i32 to vector<16xi32>
    %add3A_391 = arith.addi %rem3A_377, %add3A_390 : vector<16xi32>
    %select_n3A_392 = arith.select %and3A_389, %add3A_391, %rem3A_377 : vector<16xi1>, vector<16xi32>
    %add3A_393 = arith.constant 7 : i32
    %add3A_394 = vector.broadcast %add3A_393 : i32 to vector<16xi32>
    %add3A_395 = arith.addi %iota3A, %add3A_394 : vector<16xi32>
    %jit3A_396 = arith.constant 32 : i32
    %eq3A_397 = arith.constant 0 : i32
    %eq3A_398 = arith.cmpi eq, %jit3A_396, %eq3A_397 : i32
    %jit3A_399 = arith.constant 1 : i32
    %select_n3A_400 = arith.select %eq3A_398, %jit3A_399, %jit3A_396 : i32
    %rem3A_401 = vector.broadcast %select_n3A_400 : i32 to vector<16xi32>
    %rem3A_402 = arith.remsi %add3A_395, %rem3A_401 : vector<16xi32>
    %ne3A_403 = arith.constant 0 : i32
    %ne3A_404 = vector.broadcast %ne3A_403 : i32 to vector<16xi32>
    %ne3A_405 = arith.cmpi ne, %rem3A_402, %ne3A_404 : vector<16xi32>
    %lt3A_406 = arith.constant 0 : i32
    %lt3A_407 = vector.broadcast %lt3A_406 : i32 to vector<16xi32>
    %lt3A_408 = arith.cmpi slt, %rem3A_402, %lt3A_407 : vector<16xi32>
    %lt3A_409 = arith.constant 0 : i32
    %lt3A_410 = arith.cmpi slt, %select_n3A_400, %lt3A_409 : i32
    %ne3A_411 = vector.broadcast %lt3A_410 : i1 to vector<16xi1>
    %ne3A_412 = vector.broadcast %ne3A_411 : vector<16xi1> to vector<16xi1>
    %ne3A_413 = arith.xori %lt3A_408, %ne3A_412 : vector<16xi1>
    %and3A_414 = arith.andi %ne3A_413, %ne3A_405 : vector<16xi1>
    %add3A_415 = vector.broadcast %select_n3A_400 : i32 to vector<16xi32>
    %add3A_416 = arith.addi %rem3A_402, %add3A_415 : vector<16xi32>
    %select_n3A_417 = arith.select %and3A_414, %add3A_416, %rem3A_402 : vector<16xi1>, vector<16xi32>
    %add3A_418 = arith.constant 8 : i32
    %add3A_419 = vector.broadcast %add3A_418 : i32 to vector<16xi32>
    %add3A_420 = arith.addi %iota3A, %add3A_419 : vector<16xi32>
    %jit3A_421 = arith.constant 32 : i32
    %eq3A_422 = arith.constant 0 : i32
    %eq3A_423 = arith.cmpi eq, %jit3A_421, %eq3A_422 : i32
    %jit3A_424 = arith.constant 1 : i32
    %select_n3A_425 = arith.select %eq3A_423, %jit3A_424, %jit3A_421 : i32
    %rem3A_426 = vector.broadcast %select_n3A_425 : i32 to vector<16xi32>
    %rem3A_427 = arith.remsi %add3A_420, %rem3A_426 : vector<16xi32>
    %ne3A_428 = arith.constant 0 : i32
    %ne3A_429 = vector.broadcast %ne3A_428 : i32 to vector<16xi32>
    %ne3A_430 = arith.cmpi ne, %rem3A_427, %ne3A_429 : vector<16xi32>
    %lt3A_431 = arith.constant 0 : i32
    %lt3A_432 = vector.broadcast %lt3A_431 : i32 to vector<16xi32>
    %lt3A_433 = arith.cmpi slt, %rem3A_427, %lt3A_432 : vector<16xi32>
    %lt3A_434 = arith.constant 0 : i32
    %lt3A_435 = arith.cmpi slt, %select_n3A_425, %lt3A_434 : i32
    %ne3A_436 = vector.broadcast %lt3A_435 : i1 to vector<16xi1>
    %ne3A_437 = vector.broadcast %ne3A_436 : vector<16xi1> to vector<16xi1>
    %ne3A_438 = arith.xori %lt3A_433, %ne3A_437 : vector<16xi1>
    %and3A_439 = arith.andi %ne3A_438, %ne3A_430 : vector<16xi1>
    %add3A_440 = vector.broadcast %select_n3A_425 : i32 to vector<16xi32>
    %add3A_441 = arith.addi %rem3A_427, %add3A_440 : vector<16xi32>
    %select_n3A_442 = arith.select %and3A_439, %add3A_441, %rem3A_427 : vector<16xi1>, vector<16xi32>
    %add3A_443 = arith.constant 9 : i32
    %add3A_444 = vector.broadcast %add3A_443 : i32 to vector<16xi32>
    %add3A_445 = arith.addi %iota3A, %add3A_444 : vector<16xi32>
    %jit3A_446 = arith.constant 32 : i32
    %eq3A_447 = arith.constant 0 : i32
    %eq3A_448 = arith.cmpi eq, %jit3A_446, %eq3A_447 : i32
    %jit3A_449 = arith.constant 1 : i32
    %select_n3A_450 = arith.select %eq3A_448, %jit3A_449, %jit3A_446 : i32
    %rem3A_451 = vector.broadcast %select_n3A_450 : i32 to vector<16xi32>
    %rem3A_452 = arith.remsi %add3A_445, %rem3A_451 : vector<16xi32>
    %ne3A_453 = arith.constant 0 : i32
    %ne3A_454 = vector.broadcast %ne3A_453 : i32 to vector<16xi32>
    %ne3A_455 = arith.cmpi ne, %rem3A_452, %ne3A_454 : vector<16xi32>
    %lt3A_456 = arith.constant 0 : i32
    %lt3A_457 = vector.broadcast %lt3A_456 : i32 to vector<16xi32>
    %lt3A_458 = arith.cmpi slt, %rem3A_452, %lt3A_457 : vector<16xi32>
    %lt3A_459 = arith.constant 0 : i32
    %lt3A_460 = arith.cmpi slt, %select_n3A_450, %lt3A_459 : i32
    %ne3A_461 = vector.broadcast %lt3A_460 : i1 to vector<16xi1>
    %ne3A_462 = vector.broadcast %ne3A_461 : vector<16xi1> to vector<16xi1>
    %ne3A_463 = arith.xori %lt3A_458, %ne3A_462 : vector<16xi1>
    %and3A_464 = arith.andi %ne3A_463, %ne3A_455 : vector<16xi1>
    %add3A_465 = vector.broadcast %select_n3A_450 : i32 to vector<16xi32>
    %add3A_466 = arith.addi %rem3A_452, %add3A_465 : vector<16xi32>
    %select_n3A_467 = arith.select %and3A_464, %add3A_466, %rem3A_452 : vector<16xi1>, vector<16xi32>
    %add3A_468 = arith.constant 10 : i32
    %add3A_469 = vector.broadcast %add3A_468 : i32 to vector<16xi32>
    %add3A_470 = arith.addi %iota3A, %add3A_469 : vector<16xi32>
    %jit3A_471 = arith.constant 32 : i32
    %eq3A_472 = arith.constant 0 : i32
    %eq3A_473 = arith.cmpi eq, %jit3A_471, %eq3A_472 : i32
    %jit3A_474 = arith.constant 1 : i32
    %select_n3A_475 = arith.select %eq3A_473, %jit3A_474, %jit3A_471 : i32
    %rem3A_476 = vector.broadcast %select_n3A_475 : i32 to vector<16xi32>
    %rem3A_477 = arith.remsi %add3A_470, %rem3A_476 : vector<16xi32>
    %ne3A_478 = arith.constant 0 : i32
    %ne3A_479 = vector.broadcast %ne3A_478 : i32 to vector<16xi32>
    %ne3A_480 = arith.cmpi ne, %rem3A_477, %ne3A_479 : vector<16xi32>
    %lt3A_481 = arith.constant 0 : i32
    %lt3A_482 = vector.broadcast %lt3A_481 : i32 to vector<16xi32>
    %lt3A_483 = arith.cmpi slt, %rem3A_477, %lt3A_482 : vector<16xi32>
    %lt3A_484 = arith.constant 0 : i32
    %lt3A_485 = arith.cmpi slt, %select_n3A_475, %lt3A_484 : i32
    %ne3A_486 = vector.broadcast %lt3A_485 : i1 to vector<16xi1>
    %ne3A_487 = vector.broadcast %ne3A_486 : vector<16xi1> to vector<16xi1>
    %ne3A_488 = arith.xori %lt3A_483, %ne3A_487 : vector<16xi1>
    %and3A_489 = arith.andi %ne3A_488, %ne3A_480 : vector<16xi1>
    %add3A_490 = vector.broadcast %select_n3A_475 : i32 to vector<16xi32>
    %add3A_491 = arith.addi %rem3A_477, %add3A_490 : vector<16xi32>
    %select_n3A_492 = arith.select %and3A_489, %add3A_491, %rem3A_477 : vector<16xi1>, vector<16xi32>
    %add3A_493 = arith.constant 11 : i32
    %add3A_494 = vector.broadcast %add3A_493 : i32 to vector<16xi32>
    %add3A_495 = arith.addi %iota3A, %add3A_494 : vector<16xi32>
    %jit3A_496 = arith.constant 32 : i32
    %eq3A_497 = arith.constant 0 : i32
    %eq3A_498 = arith.cmpi eq, %jit3A_496, %eq3A_497 : i32
    %jit3A_499 = arith.constant 1 : i32
    %select_n3A_500 = arith.select %eq3A_498, %jit3A_499, %jit3A_496 : i32
    %rem3A_501 = vector.broadcast %select_n3A_500 : i32 to vector<16xi32>
    %rem3A_502 = arith.remsi %add3A_495, %rem3A_501 : vector<16xi32>
    %ne3A_503 = arith.constant 0 : i32
    %ne3A_504 = vector.broadcast %ne3A_503 : i32 to vector<16xi32>
    %ne3A_505 = arith.cmpi ne, %rem3A_502, %ne3A_504 : vector<16xi32>
    %lt3A_506 = arith.constant 0 : i32
    %lt3A_507 = vector.broadcast %lt3A_506 : i32 to vector<16xi32>
    %lt3A_508 = arith.cmpi slt, %rem3A_502, %lt3A_507 : vector<16xi32>
    %lt3A_509 = arith.constant 0 : i32
    %lt3A_510 = arith.cmpi slt, %select_n3A_500, %lt3A_509 : i32
    %ne3A_511 = vector.broadcast %lt3A_510 : i1 to vector<16xi1>
    %ne3A_512 = vector.broadcast %ne3A_511 : vector<16xi1> to vector<16xi1>
    %ne3A_513 = arith.xori %lt3A_508, %ne3A_512 : vector<16xi1>
    %and3A_514 = arith.andi %ne3A_513, %ne3A_505 : vector<16xi1>
    %add3A_515 = vector.broadcast %select_n3A_500 : i32 to vector<16xi32>
    %add3A_516 = arith.addi %rem3A_502, %add3A_515 : vector<16xi32>
    %select_n3A_517 = arith.select %and3A_514, %add3A_516, %rem3A_502 : vector<16xi1>, vector<16xi32>
    %add3A_518 = arith.constant 12 : i32
    %add3A_519 = vector.broadcast %add3A_518 : i32 to vector<16xi32>
    %add3A_520 = arith.addi %iota3A, %add3A_519 : vector<16xi32>
    %jit3A_521 = arith.constant 32 : i32
    %eq3A_522 = arith.constant 0 : i32
    %eq3A_523 = arith.cmpi eq, %jit3A_521, %eq3A_522 : i32
    %jit3A_524 = arith.constant 1 : i32
    %select_n3A_525 = arith.select %eq3A_523, %jit3A_524, %jit3A_521 : i32
    %rem3A_526 = vector.broadcast %select_n3A_525 : i32 to vector<16xi32>
    %rem3A_527 = arith.remsi %add3A_520, %rem3A_526 : vector<16xi32>
    %ne3A_528 = arith.constant 0 : i32
    %ne3A_529 = vector.broadcast %ne3A_528 : i32 to vector<16xi32>
    %ne3A_530 = arith.cmpi ne, %rem3A_527, %ne3A_529 : vector<16xi32>
    %lt3A_531 = arith.constant 0 : i32
    %lt3A_532 = vector.broadcast %lt3A_531 : i32 to vector<16xi32>
    %lt3A_533 = arith.cmpi slt, %rem3A_527, %lt3A_532 : vector<16xi32>
    %lt3A_534 = arith.constant 0 : i32
    %lt3A_535 = arith.cmpi slt, %select_n3A_525, %lt3A_534 : i32
    %ne3A_536 = vector.broadcast %lt3A_535 : i1 to vector<16xi1>
    %ne3A_537 = vector.broadcast %ne3A_536 : vector<16xi1> to vector<16xi1>
    %ne3A_538 = arith.xori %lt3A_533, %ne3A_537 : vector<16xi1>
    %and3A_539 = arith.andi %ne3A_538, %ne3A_530 : vector<16xi1>
    %add3A_540 = vector.broadcast %select_n3A_525 : i32 to vector<16xi32>
    %add3A_541 = arith.addi %rem3A_527, %add3A_540 : vector<16xi32>
    %select_n3A_542 = arith.select %and3A_539, %add3A_541, %rem3A_527 : vector<16xi1>, vector<16xi32>
    %add3A_543 = arith.constant 13 : i32
    %add3A_544 = vector.broadcast %add3A_543 : i32 to vector<16xi32>
    %add3A_545 = arith.addi %iota3A, %add3A_544 : vector<16xi32>
    %jit3A_546 = arith.constant 32 : i32
    %eq3A_547 = arith.constant 0 : i32
    %eq3A_548 = arith.cmpi eq, %jit3A_546, %eq3A_547 : i32
    %jit3A_549 = arith.constant 1 : i32
    %select_n3A_550 = arith.select %eq3A_548, %jit3A_549, %jit3A_546 : i32
    %rem3A_551 = vector.broadcast %select_n3A_550 : i32 to vector<16xi32>
    %rem3A_552 = arith.remsi %add3A_545, %rem3A_551 : vector<16xi32>
    %ne3A_553 = arith.constant 0 : i32
    %ne3A_554 = vector.broadcast %ne3A_553 : i32 to vector<16xi32>
    %ne3A_555 = arith.cmpi ne, %rem3A_552, %ne3A_554 : vector<16xi32>
    %lt3A_556 = arith.constant 0 : i32
    %lt3A_557 = vector.broadcast %lt3A_556 : i32 to vector<16xi32>
    %lt3A_558 = arith.cmpi slt, %rem3A_552, %lt3A_557 : vector<16xi32>
    %lt3A_559 = arith.constant 0 : i32
    %lt3A_560 = arith.cmpi slt, %select_n3A_550, %lt3A_559 : i32
    %ne3A_561 = vector.broadcast %lt3A_560 : i1 to vector<16xi1>
    %ne3A_562 = vector.broadcast %ne3A_561 : vector<16xi1> to vector<16xi1>
    %ne3A_563 = arith.xori %lt3A_558, %ne3A_562 : vector<16xi1>
    %and3A_564 = arith.andi %ne3A_563, %ne3A_555 : vector<16xi1>
    %add3A_565 = vector.broadcast %select_n3A_550 : i32 to vector<16xi32>
    %add3A_566 = arith.addi %rem3A_552, %add3A_565 : vector<16xi32>
    %select_n3A_567 = arith.select %and3A_564, %add3A_566, %rem3A_552 : vector<16xi1>, vector<16xi32>
    %add3A_568 = arith.constant 14 : i32
    %add3A_569 = vector.broadcast %add3A_568 : i32 to vector<16xi32>
    %add3A_570 = arith.addi %iota3A, %add3A_569 : vector<16xi32>
    %jit3A_571 = arith.constant 32 : i32
    %eq3A_572 = arith.constant 0 : i32
    %eq3A_573 = arith.cmpi eq, %jit3A_571, %eq3A_572 : i32
    %jit3A_574 = arith.constant 1 : i32
    %select_n3A_575 = arith.select %eq3A_573, %jit3A_574, %jit3A_571 : i32
    %rem3A_576 = vector.broadcast %select_n3A_575 : i32 to vector<16xi32>
    %rem3A_577 = arith.remsi %add3A_570, %rem3A_576 : vector<16xi32>
    %ne3A_578 = arith.constant 0 : i32
    %ne3A_579 = vector.broadcast %ne3A_578 : i32 to vector<16xi32>
    %ne3A_580 = arith.cmpi ne, %rem3A_577, %ne3A_579 : vector<16xi32>
    %lt3A_581 = arith.constant 0 : i32
    %lt3A_582 = vector.broadcast %lt3A_581 : i32 to vector<16xi32>
    %lt3A_583 = arith.cmpi slt, %rem3A_577, %lt3A_582 : vector<16xi32>
    %lt3A_584 = arith.constant 0 : i32
    %lt3A_585 = arith.cmpi slt, %select_n3A_575, %lt3A_584 : i32
    %ne3A_586 = vector.broadcast %lt3A_585 : i1 to vector<16xi1>
    %ne3A_587 = vector.broadcast %ne3A_586 : vector<16xi1> to vector<16xi1>
    %ne3A_588 = arith.xori %lt3A_583, %ne3A_587 : vector<16xi1>
    %and3A_589 = arith.andi %ne3A_588, %ne3A_580 : vector<16xi1>
    %add3A_590 = vector.broadcast %select_n3A_575 : i32 to vector<16xi32>
    %add3A_591 = arith.addi %rem3A_577, %add3A_590 : vector<16xi32>
    %select_n3A_592 = arith.select %and3A_589, %add3A_591, %rem3A_577 : vector<16xi1>, vector<16xi32>
    %add3A_593 = arith.constant 15 : i32
    %add3A_594 = vector.broadcast %add3A_593 : i32 to vector<16xi32>
    %add3A_595 = arith.addi %iota3A, %add3A_594 : vector<16xi32>
    %jit3A_596 = arith.constant 32 : i32
    %eq3A_597 = arith.constant 0 : i32
    %eq3A_598 = arith.cmpi eq, %jit3A_596, %eq3A_597 : i32
    %jit3A_599 = arith.constant 1 : i32
    %select_n3A_600 = arith.select %eq3A_598, %jit3A_599, %jit3A_596 : i32
    %rem3A_601 = vector.broadcast %select_n3A_600 : i32 to vector<16xi32>
    %rem3A_602 = arith.remsi %add3A_595, %rem3A_601 : vector<16xi32>
    %ne3A_603 = arith.constant 0 : i32
    %ne3A_604 = vector.broadcast %ne3A_603 : i32 to vector<16xi32>
    %ne3A_605 = arith.cmpi ne, %rem3A_602, %ne3A_604 : vector<16xi32>
    %lt3A_606 = arith.constant 0 : i32
    %lt3A_607 = vector.broadcast %lt3A_606 : i32 to vector<16xi32>
    %lt3A_608 = arith.cmpi slt, %rem3A_602, %lt3A_607 : vector<16xi32>
    %lt3A_609 = arith.constant 0 : i32
    %lt3A_610 = arith.cmpi slt, %select_n3A_600, %lt3A_609 : i32
    %ne3A_611 = vector.broadcast %lt3A_610 : i1 to vector<16xi1>
    %ne3A_612 = vector.broadcast %ne3A_611 : vector<16xi1> to vector<16xi1>
    %ne3A_613 = arith.xori %lt3A_608, %ne3A_612 : vector<16xi1>
    %and3A_614 = arith.andi %ne3A_613, %ne3A_605 : vector<16xi1>
    %add3A_615 = vector.broadcast %select_n3A_600 : i32 to vector<16xi32>
    %add3A_616 = arith.addi %rem3A_602, %add3A_615 : vector<16xi32>
    %select_n3A_617 = arith.select %and3A_614, %add3A_616, %rem3A_602 : vector<16xi1>, vector<16xi32>
    %add3A_618 = arith.constant 16 : i32
    %add3A_619 = vector.broadcast %add3A_618 : i32 to vector<16xi32>
    %add3A_620 = arith.addi %iota3A, %add3A_619 : vector<16xi32>
    %jit3A_621 = arith.constant 32 : i32
    %eq3A_622 = arith.constant 0 : i32
    %eq3A_623 = arith.cmpi eq, %jit3A_621, %eq3A_622 : i32
    %jit3A_624 = arith.constant 1 : i32
    %select_n3A_625 = arith.select %eq3A_623, %jit3A_624, %jit3A_621 : i32
    %rem3A_626 = vector.broadcast %select_n3A_625 : i32 to vector<16xi32>
    %rem3A_627 = arith.remsi %add3A_620, %rem3A_626 : vector<16xi32>
    %ne3A_628 = arith.constant 0 : i32
    %ne3A_629 = vector.broadcast %ne3A_628 : i32 to vector<16xi32>
    %ne3A_630 = arith.cmpi ne, %rem3A_627, %ne3A_629 : vector<16xi32>
    %lt3A_631 = arith.constant 0 : i32
    %lt3A_632 = vector.broadcast %lt3A_631 : i32 to vector<16xi32>
    %lt3A_633 = arith.cmpi slt, %rem3A_627, %lt3A_632 : vector<16xi32>
    %lt3A_634 = arith.constant 0 : i32
    %lt3A_635 = arith.cmpi slt, %select_n3A_625, %lt3A_634 : i32
    %ne3A_636 = vector.broadcast %lt3A_635 : i1 to vector<16xi1>
    %ne3A_637 = vector.broadcast %ne3A_636 : vector<16xi1> to vector<16xi1>
    %ne3A_638 = arith.xori %lt3A_633, %ne3A_637 : vector<16xi1>
    %and3A_639 = arith.andi %ne3A_638, %ne3A_630 : vector<16xi1>
    %add3A_640 = vector.broadcast %select_n3A_625 : i32 to vector<16xi32>
    %add3A_641 = arith.addi %rem3A_627, %add3A_640 : vector<16xi32>
    %select_n3A_642 = arith.select %and3A_639, %add3A_641, %rem3A_627 : vector<16xi1>, vector<16xi32>
    %add3A_643 = arith.constant 17 : i32
    %add3A_644 = vector.broadcast %add3A_643 : i32 to vector<16xi32>
    %add3A_645 = arith.addi %iota3A, %add3A_644 : vector<16xi32>
    %jit3A_646 = arith.constant 32 : i32
    %eq3A_647 = arith.constant 0 : i32
    %eq3A_648 = arith.cmpi eq, %jit3A_646, %eq3A_647 : i32
    %jit3A_649 = arith.constant 1 : i32
    %select_n3A_650 = arith.select %eq3A_648, %jit3A_649, %jit3A_646 : i32
    %rem3A_651 = vector.broadcast %select_n3A_650 : i32 to vector<16xi32>
    %rem3A_652 = arith.remsi %add3A_645, %rem3A_651 : vector<16xi32>
    %ne3A_653 = arith.constant 0 : i32
    %ne3A_654 = vector.broadcast %ne3A_653 : i32 to vector<16xi32>
    %ne3A_655 = arith.cmpi ne, %rem3A_652, %ne3A_654 : vector<16xi32>
    %lt3A_656 = arith.constant 0 : i32
    %lt3A_657 = vector.broadcast %lt3A_656 : i32 to vector<16xi32>
    %lt3A_658 = arith.cmpi slt, %rem3A_652, %lt3A_657 : vector<16xi32>
    %lt3A_659 = arith.constant 0 : i32
    %lt3A_660 = arith.cmpi slt, %select_n3A_650, %lt3A_659 : i32
    %ne3A_661 = vector.broadcast %lt3A_660 : i1 to vector<16xi1>
    %ne3A_662 = vector.broadcast %ne3A_661 : vector<16xi1> to vector<16xi1>
    %ne3A_663 = arith.xori %lt3A_658, %ne3A_662 : vector<16xi1>
    %and3A_664 = arith.andi %ne3A_663, %ne3A_655 : vector<16xi1>
    %add3A_665 = vector.broadcast %select_n3A_650 : i32 to vector<16xi32>
    %add3A_666 = arith.addi %rem3A_652, %add3A_665 : vector<16xi32>
    %select_n3A_667 = arith.select %and3A_664, %add3A_666, %rem3A_652 : vector<16xi1>, vector<16xi32>
    %add3A_668 = arith.constant 18 : i32
    %add3A_669 = vector.broadcast %add3A_668 : i32 to vector<16xi32>
    %add3A_670 = arith.addi %iota3A, %add3A_669 : vector<16xi32>
    %jit3A_671 = arith.constant 32 : i32
    %eq3A_672 = arith.constant 0 : i32
    %eq3A_673 = arith.cmpi eq, %jit3A_671, %eq3A_672 : i32
    %jit3A_674 = arith.constant 1 : i32
    %select_n3A_675 = arith.select %eq3A_673, %jit3A_674, %jit3A_671 : i32
    %rem3A_676 = vector.broadcast %select_n3A_675 : i32 to vector<16xi32>
    %rem3A_677 = arith.remsi %add3A_670, %rem3A_676 : vector<16xi32>
    %ne3A_678 = arith.constant 0 : i32
    %ne3A_679 = vector.broadcast %ne3A_678 : i32 to vector<16xi32>
    %ne3A_680 = arith.cmpi ne, %rem3A_677, %ne3A_679 : vector<16xi32>
    %lt3A_681 = arith.constant 0 : i32
    %lt3A_682 = vector.broadcast %lt3A_681 : i32 to vector<16xi32>
    %lt3A_683 = arith.cmpi slt, %rem3A_677, %lt3A_682 : vector<16xi32>
    %lt3A_684 = arith.constant 0 : i32
    %lt3A_685 = arith.cmpi slt, %select_n3A_675, %lt3A_684 : i32
    %ne3A_686 = vector.broadcast %lt3A_685 : i1 to vector<16xi1>
    %ne3A_687 = vector.broadcast %ne3A_686 : vector<16xi1> to vector<16xi1>
    %ne3A_688 = arith.xori %lt3A_683, %ne3A_687 : vector<16xi1>
    %and3A_689 = arith.andi %ne3A_688, %ne3A_680 : vector<16xi1>
    %add3A_690 = vector.broadcast %select_n3A_675 : i32 to vector<16xi32>
    %add3A_691 = arith.addi %rem3A_677, %add3A_690 : vector<16xi32>
    %select_n3A_692 = arith.select %and3A_689, %add3A_691, %rem3A_677 : vector<16xi1>, vector<16xi32>
    %add3A_693 = arith.constant 19 : i32
    %add3A_694 = vector.broadcast %add3A_693 : i32 to vector<16xi32>
    %add3A_695 = arith.addi %iota3A, %add3A_694 : vector<16xi32>
    %jit3A_696 = arith.constant 32 : i32
    %eq3A_697 = arith.constant 0 : i32
    %eq3A_698 = arith.cmpi eq, %jit3A_696, %eq3A_697 : i32
    %jit3A_699 = arith.constant 1 : i32
    %select_n3A_700 = arith.select %eq3A_698, %jit3A_699, %jit3A_696 : i32
    %rem3A_701 = vector.broadcast %select_n3A_700 : i32 to vector<16xi32>
    %rem3A_702 = arith.remsi %add3A_695, %rem3A_701 : vector<16xi32>
    %ne3A_703 = arith.constant 0 : i32
    %ne3A_704 = vector.broadcast %ne3A_703 : i32 to vector<16xi32>
    %ne3A_705 = arith.cmpi ne, %rem3A_702, %ne3A_704 : vector<16xi32>
    %lt3A_706 = arith.constant 0 : i32
    %lt3A_707 = vector.broadcast %lt3A_706 : i32 to vector<16xi32>
    %lt3A_708 = arith.cmpi slt, %rem3A_702, %lt3A_707 : vector<16xi32>
    %lt3A_709 = arith.constant 0 : i32
    %lt3A_710 = arith.cmpi slt, %select_n3A_700, %lt3A_709 : i32
    %ne3A_711 = vector.broadcast %lt3A_710 : i1 to vector<16xi1>
    %ne3A_712 = vector.broadcast %ne3A_711 : vector<16xi1> to vector<16xi1>
    %ne3A_713 = arith.xori %lt3A_708, %ne3A_712 : vector<16xi1>
    %and3A_714 = arith.andi %ne3A_713, %ne3A_705 : vector<16xi1>
    %add3A_715 = vector.broadcast %select_n3A_700 : i32 to vector<16xi32>
    %add3A_716 = arith.addi %rem3A_702, %add3A_715 : vector<16xi32>
    %select_n3A_717 = arith.select %and3A_714, %add3A_716, %rem3A_702 : vector<16xi1>, vector<16xi32>
    %add3A_718 = arith.constant 20 : i32
    %add3A_719 = vector.broadcast %add3A_718 : i32 to vector<16xi32>
    %add3A_720 = arith.addi %iota3A, %add3A_719 : vector<16xi32>
    %jit3A_721 = arith.constant 32 : i32
    %eq3A_722 = arith.constant 0 : i32
    %eq3A_723 = arith.cmpi eq, %jit3A_721, %eq3A_722 : i32
    %jit3A_724 = arith.constant 1 : i32
    %select_n3A_725 = arith.select %eq3A_723, %jit3A_724, %jit3A_721 : i32
    %rem3A_726 = vector.broadcast %select_n3A_725 : i32 to vector<16xi32>
    %rem3A_727 = arith.remsi %add3A_720, %rem3A_726 : vector<16xi32>
    %ne3A_728 = arith.constant 0 : i32
    %ne3A_729 = vector.broadcast %ne3A_728 : i32 to vector<16xi32>
    %ne3A_730 = arith.cmpi ne, %rem3A_727, %ne3A_729 : vector<16xi32>
    %lt3A_731 = arith.constant 0 : i32
    %lt3A_732 = vector.broadcast %lt3A_731 : i32 to vector<16xi32>
    %lt3A_733 = arith.cmpi slt, %rem3A_727, %lt3A_732 : vector<16xi32>
    %lt3A_734 = arith.constant 0 : i32
    %lt3A_735 = arith.cmpi slt, %select_n3A_725, %lt3A_734 : i32
    %ne3A_736 = vector.broadcast %lt3A_735 : i1 to vector<16xi1>
    %ne3A_737 = vector.broadcast %ne3A_736 : vector<16xi1> to vector<16xi1>
    %ne3A_738 = arith.xori %lt3A_733, %ne3A_737 : vector<16xi1>
    %and3A_739 = arith.andi %ne3A_738, %ne3A_730 : vector<16xi1>
    %add3A_740 = vector.broadcast %select_n3A_725 : i32 to vector<16xi32>
    %add3A_741 = arith.addi %rem3A_727, %add3A_740 : vector<16xi32>
    %select_n3A_742 = arith.select %and3A_739, %add3A_741, %rem3A_727 : vector<16xi1>, vector<16xi32>
    %add3A_743 = arith.constant 21 : i32
    %add3A_744 = vector.broadcast %add3A_743 : i32 to vector<16xi32>
    %add3A_745 = arith.addi %iota3A, %add3A_744 : vector<16xi32>
    %jit3A_746 = arith.constant 32 : i32
    %eq3A_747 = arith.constant 0 : i32
    %eq3A_748 = arith.cmpi eq, %jit3A_746, %eq3A_747 : i32
    %jit3A_749 = arith.constant 1 : i32
    %select_n3A_750 = arith.select %eq3A_748, %jit3A_749, %jit3A_746 : i32
    %rem3A_751 = vector.broadcast %select_n3A_750 : i32 to vector<16xi32>
    %rem3A_752 = arith.remsi %add3A_745, %rem3A_751 : vector<16xi32>
    %ne3A_753 = arith.constant 0 : i32
    %ne3A_754 = vector.broadcast %ne3A_753 : i32 to vector<16xi32>
    %ne3A_755 = arith.cmpi ne, %rem3A_752, %ne3A_754 : vector<16xi32>
    %lt3A_756 = arith.constant 0 : i32
    %lt3A_757 = vector.broadcast %lt3A_756 : i32 to vector<16xi32>
    %lt3A_758 = arith.cmpi slt, %rem3A_752, %lt3A_757 : vector<16xi32>
    %lt3A_759 = arith.constant 0 : i32
    %lt3A_760 = arith.cmpi slt, %select_n3A_750, %lt3A_759 : i32
    %ne3A_761 = vector.broadcast %lt3A_760 : i1 to vector<16xi1>
    %ne3A_762 = vector.broadcast %ne3A_761 : vector<16xi1> to vector<16xi1>
    %ne3A_763 = arith.xori %lt3A_758, %ne3A_762 : vector<16xi1>
    %and3A_764 = arith.andi %ne3A_763, %ne3A_755 : vector<16xi1>
    %add3A_765 = vector.broadcast %select_n3A_750 : i32 to vector<16xi32>
    %add3A_766 = arith.addi %rem3A_752, %add3A_765 : vector<16xi32>
    %select_n3A_767 = arith.select %and3A_764, %add3A_766, %rem3A_752 : vector<16xi1>, vector<16xi32>
    %add3A_768 = arith.constant 22 : i32
    %add3A_769 = vector.broadcast %add3A_768 : i32 to vector<16xi32>
    %add3A_770 = arith.addi %iota3A, %add3A_769 : vector<16xi32>
    %jit3A_771 = arith.constant 32 : i32
    %eq3A_772 = arith.constant 0 : i32
    %eq3A_773 = arith.cmpi eq, %jit3A_771, %eq3A_772 : i32
    %jit3A_774 = arith.constant 1 : i32
    %select_n3A_775 = arith.select %eq3A_773, %jit3A_774, %jit3A_771 : i32
    %rem3A_776 = vector.broadcast %select_n3A_775 : i32 to vector<16xi32>
    %rem3A_777 = arith.remsi %add3A_770, %rem3A_776 : vector<16xi32>
    %ne3A_778 = arith.constant 0 : i32
    %ne3A_779 = vector.broadcast %ne3A_778 : i32 to vector<16xi32>
    %ne3A_780 = arith.cmpi ne, %rem3A_777, %ne3A_779 : vector<16xi32>
    %lt3A_781 = arith.constant 0 : i32
    %lt3A_782 = vector.broadcast %lt3A_781 : i32 to vector<16xi32>
    %lt3A_783 = arith.cmpi slt, %rem3A_777, %lt3A_782 : vector<16xi32>
    %lt3A_784 = arith.constant 0 : i32
    %lt3A_785 = arith.cmpi slt, %select_n3A_775, %lt3A_784 : i32
    %ne3A_786 = vector.broadcast %lt3A_785 : i1 to vector<16xi1>
    %ne3A_787 = vector.broadcast %ne3A_786 : vector<16xi1> to vector<16xi1>
    %ne3A_788 = arith.xori %lt3A_783, %ne3A_787 : vector<16xi1>
    %and3A_789 = arith.andi %ne3A_788, %ne3A_780 : vector<16xi1>
    %add3A_790 = vector.broadcast %select_n3A_775 : i32 to vector<16xi32>
    %add3A_791 = arith.addi %rem3A_777, %add3A_790 : vector<16xi32>
    %select_n3A_792 = arith.select %and3A_789, %add3A_791, %rem3A_777 : vector<16xi1>, vector<16xi32>
    %add3A_793 = arith.constant 23 : i32
    %add3A_794 = vector.broadcast %add3A_793 : i32 to vector<16xi32>
    %add3A_795 = arith.addi %iota3A, %add3A_794 : vector<16xi32>
    %jit3A_796 = arith.constant 32 : i32
    %eq3A_797 = arith.constant 0 : i32
    %eq3A_798 = arith.cmpi eq, %jit3A_796, %eq3A_797 : i32
    %jit3A_799 = arith.constant 1 : i32
    %select_n3A_800 = arith.select %eq3A_798, %jit3A_799, %jit3A_796 : i32
    %rem3A_801 = vector.broadcast %select_n3A_800 : i32 to vector<16xi32>
    %rem3A_802 = arith.remsi %add3A_795, %rem3A_801 : vector<16xi32>
    %ne3A_803 = arith.constant 0 : i32
    %ne3A_804 = vector.broadcast %ne3A_803 : i32 to vector<16xi32>
    %ne3A_805 = arith.cmpi ne, %rem3A_802, %ne3A_804 : vector<16xi32>
    %lt3A_806 = arith.constant 0 : i32
    %lt3A_807 = vector.broadcast %lt3A_806 : i32 to vector<16xi32>
    %lt3A_808 = arith.cmpi slt, %rem3A_802, %lt3A_807 : vector<16xi32>
    %lt3A_809 = arith.constant 0 : i32
    %lt3A_810 = arith.cmpi slt, %select_n3A_800, %lt3A_809 : i32
    %ne3A_811 = vector.broadcast %lt3A_810 : i1 to vector<16xi1>
    %ne3A_812 = vector.broadcast %ne3A_811 : vector<16xi1> to vector<16xi1>
    %ne3A_813 = arith.xori %lt3A_808, %ne3A_812 : vector<16xi1>
    %and3A_814 = arith.andi %ne3A_813, %ne3A_805 : vector<16xi1>
    %add3A_815 = vector.broadcast %select_n3A_800 : i32 to vector<16xi32>
    %add3A_816 = arith.addi %rem3A_802, %add3A_815 : vector<16xi32>
    %select_n3A_817 = arith.select %and3A_814, %add3A_816, %rem3A_802 : vector<16xi1>, vector<16xi32>
    %add3A_818 = arith.constant 24 : i32
    %add3A_819 = vector.broadcast %add3A_818 : i32 to vector<16xi32>
    %add3A_820 = arith.addi %iota3A, %add3A_819 : vector<16xi32>
    %jit3A_821 = arith.constant 32 : i32
    %eq3A_822 = arith.constant 0 : i32
    %eq3A_823 = arith.cmpi eq, %jit3A_821, %eq3A_822 : i32
    %jit3A_824 = arith.constant 1 : i32
    %select_n3A_825 = arith.select %eq3A_823, %jit3A_824, %jit3A_821 : i32
    %rem3A_826 = vector.broadcast %select_n3A_825 : i32 to vector<16xi32>
    %rem3A_827 = arith.remsi %add3A_820, %rem3A_826 : vector<16xi32>
    %ne3A_828 = arith.constant 0 : i32
    %ne3A_829 = vector.broadcast %ne3A_828 : i32 to vector<16xi32>
    %ne3A_830 = arith.cmpi ne, %rem3A_827, %ne3A_829 : vector<16xi32>
    %lt3A_831 = arith.constant 0 : i32
    %lt3A_832 = vector.broadcast %lt3A_831 : i32 to vector<16xi32>
    %lt3A_833 = arith.cmpi slt, %rem3A_827, %lt3A_832 : vector<16xi32>
    %lt3A_834 = arith.constant 0 : i32
    %lt3A_835 = arith.cmpi slt, %select_n3A_825, %lt3A_834 : i32
    %ne3A_836 = vector.broadcast %lt3A_835 : i1 to vector<16xi1>
    %ne3A_837 = vector.broadcast %ne3A_836 : vector<16xi1> to vector<16xi1>
    %ne3A_838 = arith.xori %lt3A_833, %ne3A_837 : vector<16xi1>
    %and3A_839 = arith.andi %ne3A_838, %ne3A_830 : vector<16xi1>
    %add3A_840 = vector.broadcast %select_n3A_825 : i32 to vector<16xi32>
    %add3A_841 = arith.addi %rem3A_827, %add3A_840 : vector<16xi32>
    %select_n3A_842 = arith.select %and3A_839, %add3A_841, %rem3A_827 : vector<16xi1>, vector<16xi32>
    %add3A_843 = arith.constant 25 : i32
    %add3A_844 = vector.broadcast %add3A_843 : i32 to vector<16xi32>
    %add3A_845 = arith.addi %iota3A, %add3A_844 : vector<16xi32>
    %jit3A_846 = arith.constant 32 : i32
    %eq3A_847 = arith.constant 0 : i32
    %eq3A_848 = arith.cmpi eq, %jit3A_846, %eq3A_847 : i32
    %jit3A_849 = arith.constant 1 : i32
    %select_n3A_850 = arith.select %eq3A_848, %jit3A_849, %jit3A_846 : i32
    %rem3A_851 = vector.broadcast %select_n3A_850 : i32 to vector<16xi32>
    %rem3A_852 = arith.remsi %add3A_845, %rem3A_851 : vector<16xi32>
    %ne3A_853 = arith.constant 0 : i32
    %ne3A_854 = vector.broadcast %ne3A_853 : i32 to vector<16xi32>
    %ne3A_855 = arith.cmpi ne, %rem3A_852, %ne3A_854 : vector<16xi32>
    %lt3A_856 = arith.constant 0 : i32
    %lt3A_857 = vector.broadcast %lt3A_856 : i32 to vector<16xi32>
    %lt3A_858 = arith.cmpi slt, %rem3A_852, %lt3A_857 : vector<16xi32>
    %lt3A_859 = arith.constant 0 : i32
    %lt3A_860 = arith.cmpi slt, %select_n3A_850, %lt3A_859 : i32
    %ne3A_861 = vector.broadcast %lt3A_860 : i1 to vector<16xi1>
    %ne3A_862 = vector.broadcast %ne3A_861 : vector<16xi1> to vector<16xi1>
    %ne3A_863 = arith.xori %lt3A_858, %ne3A_862 : vector<16xi1>
    %and3A_864 = arith.andi %ne3A_863, %ne3A_855 : vector<16xi1>
    %add3A_865 = vector.broadcast %select_n3A_850 : i32 to vector<16xi32>
    %add3A_866 = arith.addi %rem3A_852, %add3A_865 : vector<16xi32>
    %select_n3A_867 = arith.select %and3A_864, %add3A_866, %rem3A_852 : vector<16xi1>, vector<16xi32>
    %add3A_868 = arith.constant 26 : i32
    %add3A_869 = vector.broadcast %add3A_868 : i32 to vector<16xi32>
    %add3A_870 = arith.addi %iota3A, %add3A_869 : vector<16xi32>
    %jit3A_871 = arith.constant 32 : i32
    %eq3A_872 = arith.constant 0 : i32
    %eq3A_873 = arith.cmpi eq, %jit3A_871, %eq3A_872 : i32
    %jit3A_874 = arith.constant 1 : i32
    %select_n3A_875 = arith.select %eq3A_873, %jit3A_874, %jit3A_871 : i32
    %rem3A_876 = vector.broadcast %select_n3A_875 : i32 to vector<16xi32>
    %rem3A_877 = arith.remsi %add3A_870, %rem3A_876 : vector<16xi32>
    %ne3A_878 = arith.constant 0 : i32
    %ne3A_879 = vector.broadcast %ne3A_878 : i32 to vector<16xi32>
    %ne3A_880 = arith.cmpi ne, %rem3A_877, %ne3A_879 : vector<16xi32>
    %lt3A_881 = arith.constant 0 : i32
    %lt3A_882 = vector.broadcast %lt3A_881 : i32 to vector<16xi32>
    %lt3A_883 = arith.cmpi slt, %rem3A_877, %lt3A_882 : vector<16xi32>
    %lt3A_884 = arith.constant 0 : i32
    %lt3A_885 = arith.cmpi slt, %select_n3A_875, %lt3A_884 : i32
    %ne3A_886 = vector.broadcast %lt3A_885 : i1 to vector<16xi1>
    %ne3A_887 = vector.broadcast %ne3A_886 : vector<16xi1> to vector<16xi1>
    %ne3A_888 = arith.xori %lt3A_883, %ne3A_887 : vector<16xi1>
    %and3A_889 = arith.andi %ne3A_888, %ne3A_880 : vector<16xi1>
    %add3A_890 = vector.broadcast %select_n3A_875 : i32 to vector<16xi32>
    %add3A_891 = arith.addi %rem3A_877, %add3A_890 : vector<16xi32>
    %select_n3A_892 = arith.select %and3A_889, %add3A_891, %rem3A_877 : vector<16xi1>, vector<16xi32>
    %add3A_893 = arith.constant 27 : i32
    %add3A_894 = vector.broadcast %add3A_893 : i32 to vector<16xi32>
    %add3A_895 = arith.addi %iota3A, %add3A_894 : vector<16xi32>
    %jit3A_896 = arith.constant 32 : i32
    %eq3A_897 = arith.constant 0 : i32
    %eq3A_898 = arith.cmpi eq, %jit3A_896, %eq3A_897 : i32
    %jit3A_899 = arith.constant 1 : i32
    %select_n3A_900 = arith.select %eq3A_898, %jit3A_899, %jit3A_896 : i32
    %rem3A_901 = vector.broadcast %select_n3A_900 : i32 to vector<16xi32>
    %rem3A_902 = arith.remsi %add3A_895, %rem3A_901 : vector<16xi32>
    %ne3A_903 = arith.constant 0 : i32
    %ne3A_904 = vector.broadcast %ne3A_903 : i32 to vector<16xi32>
    %ne3A_905 = arith.cmpi ne, %rem3A_902, %ne3A_904 : vector<16xi32>
    %lt3A_906 = arith.constant 0 : i32
    %lt3A_907 = vector.broadcast %lt3A_906 : i32 to vector<16xi32>
    %lt3A_908 = arith.cmpi slt, %rem3A_902, %lt3A_907 : vector<16xi32>
    %lt3A_909 = arith.constant 0 : i32
    %lt3A_910 = arith.cmpi slt, %select_n3A_900, %lt3A_909 : i32
    %ne3A_911 = vector.broadcast %lt3A_910 : i1 to vector<16xi1>
    %ne3A_912 = vector.broadcast %ne3A_911 : vector<16xi1> to vector<16xi1>
    %ne3A_913 = arith.xori %lt3A_908, %ne3A_912 : vector<16xi1>
    %and3A_914 = arith.andi %ne3A_913, %ne3A_905 : vector<16xi1>
    %add3A_915 = vector.broadcast %select_n3A_900 : i32 to vector<16xi32>
    %add3A_916 = arith.addi %rem3A_902, %add3A_915 : vector<16xi32>
    %select_n3A_917 = arith.select %and3A_914, %add3A_916, %rem3A_902 : vector<16xi1>, vector<16xi32>
    %add3A_918 = arith.constant 28 : i32
    %add3A_919 = vector.broadcast %add3A_918 : i32 to vector<16xi32>
    %add3A_920 = arith.addi %iota3A, %add3A_919 : vector<16xi32>
    %jit3A_921 = arith.constant 32 : i32
    %eq3A_922 = arith.constant 0 : i32
    %eq3A_923 = arith.cmpi eq, %jit3A_921, %eq3A_922 : i32
    %jit3A_924 = arith.constant 1 : i32
    %select_n3A_925 = arith.select %eq3A_923, %jit3A_924, %jit3A_921 : i32
    %rem3A_926 = vector.broadcast %select_n3A_925 : i32 to vector<16xi32>
    %rem3A_927 = arith.remsi %add3A_920, %rem3A_926 : vector<16xi32>
    %ne3A_928 = arith.constant 0 : i32
    %ne3A_929 = vector.broadcast %ne3A_928 : i32 to vector<16xi32>
    %ne3A_930 = arith.cmpi ne, %rem3A_927, %ne3A_929 : vector<16xi32>
    %lt3A_931 = arith.constant 0 : i32
    %lt3A_932 = vector.broadcast %lt3A_931 : i32 to vector<16xi32>
    %lt3A_933 = arith.cmpi slt, %rem3A_927, %lt3A_932 : vector<16xi32>
    %lt3A_934 = arith.constant 0 : i32
    %lt3A_935 = arith.cmpi slt, %select_n3A_925, %lt3A_934 : i32
    %ne3A_936 = vector.broadcast %lt3A_935 : i1 to vector<16xi1>
    %ne3A_937 = vector.broadcast %ne3A_936 : vector<16xi1> to vector<16xi1>
    %ne3A_938 = arith.xori %lt3A_933, %ne3A_937 : vector<16xi1>
    %and3A_939 = arith.andi %ne3A_938, %ne3A_930 : vector<16xi1>
    %add3A_940 = vector.broadcast %select_n3A_925 : i32 to vector<16xi32>
    %add3A_941 = arith.addi %rem3A_927, %add3A_940 : vector<16xi32>
    %select_n3A_942 = arith.select %and3A_939, %add3A_941, %rem3A_927 : vector<16xi1>, vector<16xi32>
    %add3A_943 = arith.constant 29 : i32
    %add3A_944 = vector.broadcast %add3A_943 : i32 to vector<16xi32>
    %add3A_945 = arith.addi %iota3A, %add3A_944 : vector<16xi32>
    %jit3A_946 = arith.constant 32 : i32
    %eq3A_947 = arith.constant 0 : i32
    %eq3A_948 = arith.cmpi eq, %jit3A_946, %eq3A_947 : i32
    %jit3A_949 = arith.constant 1 : i32
    %select_n3A_950 = arith.select %eq3A_948, %jit3A_949, %jit3A_946 : i32
    %rem3A_951 = vector.broadcast %select_n3A_950 : i32 to vector<16xi32>
    %rem3A_952 = arith.remsi %add3A_945, %rem3A_951 : vector<16xi32>
    %ne3A_953 = arith.constant 0 : i32
    %ne3A_954 = vector.broadcast %ne3A_953 : i32 to vector<16xi32>
    %ne3A_955 = arith.cmpi ne, %rem3A_952, %ne3A_954 : vector<16xi32>
    %lt3A_956 = arith.constant 0 : i32
    %lt3A_957 = vector.broadcast %lt3A_956 : i32 to vector<16xi32>
    %lt3A_958 = arith.cmpi slt, %rem3A_952, %lt3A_957 : vector<16xi32>
    %lt3A_959 = arith.constant 0 : i32
    %lt3A_960 = arith.cmpi slt, %select_n3A_950, %lt3A_959 : i32
    %ne3A_961 = vector.broadcast %lt3A_960 : i1 to vector<16xi1>
    %ne3A_962 = vector.broadcast %ne3A_961 : vector<16xi1> to vector<16xi1>
    %ne3A_963 = arith.xori %lt3A_958, %ne3A_962 : vector<16xi1>
    %and3A_964 = arith.andi %ne3A_963, %ne3A_955 : vector<16xi1>
    %add3A_965 = vector.broadcast %select_n3A_950 : i32 to vector<16xi32>
    %add3A_966 = arith.addi %rem3A_952, %add3A_965 : vector<16xi32>
    %select_n3A_967 = arith.select %and3A_964, %add3A_966, %rem3A_952 : vector<16xi1>, vector<16xi32>
    %add3A_968 = arith.constant 30 : i32
    %add3A_969 = vector.broadcast %add3A_968 : i32 to vector<16xi32>
    %add3A_970 = arith.addi %iota3A, %add3A_969 : vector<16xi32>
    %jit3A_971 = arith.constant 32 : i32
    %eq3A_972 = arith.constant 0 : i32
    %eq3A_973 = arith.cmpi eq, %jit3A_971, %eq3A_972 : i32
    %jit3A_974 = arith.constant 1 : i32
    %select_n3A_975 = arith.select %eq3A_973, %jit3A_974, %jit3A_971 : i32
    %rem3A_976 = vector.broadcast %select_n3A_975 : i32 to vector<16xi32>
    %rem3A_977 = arith.remsi %add3A_970, %rem3A_976 : vector<16xi32>
    %ne3A_978 = arith.constant 0 : i32
    %ne3A_979 = vector.broadcast %ne3A_978 : i32 to vector<16xi32>
    %ne3A_980 = arith.cmpi ne, %rem3A_977, %ne3A_979 : vector<16xi32>
    %lt3A_981 = arith.constant 0 : i32
    %lt3A_982 = vector.broadcast %lt3A_981 : i32 to vector<16xi32>
    %lt3A_983 = arith.cmpi slt, %rem3A_977, %lt3A_982 : vector<16xi32>
    %lt3A_984 = arith.constant 0 : i32
    %lt3A_985 = arith.cmpi slt, %select_n3A_975, %lt3A_984 : i32
    %ne3A_986 = vector.broadcast %lt3A_985 : i1 to vector<16xi1>
    %ne3A_987 = vector.broadcast %ne3A_986 : vector<16xi1> to vector<16xi1>
    %ne3A_988 = arith.xori %lt3A_983, %ne3A_987 : vector<16xi1>
    %and3A_989 = arith.andi %ne3A_988, %ne3A_980 : vector<16xi1>
    %add3A_990 = vector.broadcast %select_n3A_975 : i32 to vector<16xi32>
    %add3A_991 = arith.addi %rem3A_977, %add3A_990 : vector<16xi32>
    %select_n3A_992 = arith.select %and3A_989, %add3A_991, %rem3A_977 : vector<16xi1>, vector<16xi32>
    %add3A_993 = arith.constant 31 : i32
    %add3A_994 = vector.broadcast %add3A_993 : i32 to vector<16xi32>
    %add3A_995 = arith.addi %iota3A, %add3A_994 : vector<16xi32>
    %jit3A_996 = arith.constant 32 : i32
    %eq3A_997 = arith.constant 0 : i32
    %eq3A_998 = arith.cmpi eq, %jit3A_996, %eq3A_997 : i32
    %jit3A_999 = arith.constant 1 : i32
    %select_n3A_1000 = arith.select %eq3A_998, %jit3A_999, %jit3A_996 : i32
    %rem3A_1001 = vector.broadcast %select_n3A_1000 : i32 to vector<16xi32>
    %rem3A_1002 = arith.remsi %add3A_995, %rem3A_1001 : vector<16xi32>
    %ne3A_1003 = arith.constant 0 : i32
    %ne3A_1004 = vector.broadcast %ne3A_1003 : i32 to vector<16xi32>
    %ne3A_1005 = arith.cmpi ne, %rem3A_1002, %ne3A_1004 : vector<16xi32>
    %lt3A_1006 = arith.constant 0 : i32
    %lt3A_1007 = vector.broadcast %lt3A_1006 : i32 to vector<16xi32>
    %lt3A_1008 = arith.cmpi slt, %rem3A_1002, %lt3A_1007 : vector<16xi32>
    %lt3A_1009 = arith.constant 0 : i32
    %lt3A_1010 = arith.cmpi slt, %select_n3A_1000, %lt3A_1009 : i32
    %ne3A_1011 = vector.broadcast %lt3A_1010 : i1 to vector<16xi1>
    %ne3A_1012 = vector.broadcast %ne3A_1011 : vector<16xi1> to vector<16xi1>
    %ne3A_1013 = arith.xori %lt3A_1008, %ne3A_1012 : vector<16xi1>
    %and3A_1014 = arith.andi %ne3A_1013, %ne3A_1005 : vector<16xi1>
    %add3A_1015 = vector.broadcast %select_n3A_1000 : i32 to vector<16xi32>
    %add3A_1016 = arith.addi %rem3A_1002, %add3A_1015 : vector<16xi32>
    %select_n3A_1017 = arith.select %and3A_1014, %add3A_1016, %rem3A_1002 : vector<16xi1>, vector<16xi32>
    %scan3A = arith.constant 0 : i32
    %scan3A_1018 = arith.constant 0 : i32
    %scan3A_1019 = arith.constant 32 : i32
    %scan3A_1020 = arith.addi %scan3A_1018, %scan3A_1019 : i32
    %scan3A_1021 = arith.constant 1 : i32
    %scan3A_1022 = scf.for %scan3A_1024 = %scan3A_1018 to %scan3A_1020 step %scan3A_1021 iter_args(%scan3A_1025 = %scan3A) -> (i32)  : i32 {
      %mul3A_1026 = arith.constant 16 : i32
      %mul3A_1027 = arith.muli %scan3A_1024, %mul3A_1026 : i32
      %add3A_1028 = vector.broadcast %mul3A_1027 : i32 to vector<16xi32>
      %add3A_1029 = arith.addi %add3A_1028, %iota3A : vector<16xi32>
      %broadcast_in_dim3A = arith.constant 0.000000e+00 : f32
      %broadcast_in_dim3A_1030 = vector.broadcast %broadcast_in_dim3A : f32 to vector<16xf32>
      %broadcast_in_dim3A_1031 = arith.constant 0.000000e+00 : f32
      %broadcast_in_dim3A_1032 = vector.broadcast %broadcast_in_dim3A_1031 : f32 to vector<16xf32>
      %broadcast_in_dim3A_1033 = arith.constant 0.000000e+00 : f32
      %broadcast_in_dim3A_1034 = vector.broadcast %broadcast_in_dim3A_1033 : f32 to vector<16xf32>
      %broadcast_in_dim3A_1035 = arith.constant 0.000000e+00 : f32
      %broadcast_in_dim3A_1036 = vector.broadcast %broadcast_in_dim3A_1035 : f32 to vector<16xf32>
      %gather3A = tpu.vector_load_idx %arg11[%add3A_1029, %select_n3A_242] : memref<512x32xf32, #tpu.memory_space<vmem>>[vector<16xi32>, vector<16xi32>], vector<16xf32>,
      %gather3A_1037 = tpu.vector_load_idx %arg12[%add3A_1029, %select_n3A_242] : memref<512x32xf32, #tpu.memory_space<vmem>>[vector<16xi32>, vector<16xi32>], vector<16xf32>,
      %mul3A_1038 = arith.mulf %gather3A, %gather3A_1037 : vector<16xf32>
      %add3A_1039 = arith.addf %broadcast_in_dim3A_1030, %mul3A_1038 : vector<16xf32>
      %gather3A_1040 = tpu.vector_load_idx %arg11[%add3A_1029, %select_n3A_267] : memref<512x32xf32, #tpu.memory_space<vmem>>[vector<16xi32>, vector<16xi32>], vector<16xf32>,
      %gather3A_1041 = tpu.vector_load_idx %arg12[%add3A_1029, %select_n3A_267] : memref<512x32xf32, #tpu.memory_space<vmem>>[vector<16xi32>, vector<16xi32>], vector<16xf32>,
      %mul3A_1042 = arith.mulf %gather3A_1040, %gather3A_1041 : vector<16xf32>
      %add3A_1043 = arith.addf %broadcast_in_dim3A_1032, %mul3A_1042 : vector<16xf32>
      %gather3A_1044 = tpu.vector_load_idx %arg11[%add3A_1029, %select_n3A_292] : memref<512x32xf32, #tpu.memory_space<vmem>>[vector<16xi32>, vector<16xi32>], vector<16xf32>,
      %gather3A_1045 = tpu.vector_load_idx %arg12[%add3A_1029, %select_n3A_292] : memref<512x32xf32, #tpu.memory_space<vmem>>[vector<16xi32>, vector<16xi32>], vector<16xf32>,
      %mul3A_1046 = arith.mulf %gather3A_1044, %gather3A_1045 : vector<16xf32>
      %add3A_1047 = arith.addf %broadcast_in_dim3A_1034, %mul3A_1046 : vector<16xf32>
      %gather3A_1048 = tpu.vector_load_idx %arg11[%add3A_1029, %select_n3A_317] : memref<512x32xf32, #tpu.memory_space<vmem>>[vector<16xi32>, vector<16xi32>], vector<16xf32>,
      %gather3A_1049 = tpu.vector_load_idx %arg12[%add3A_1029, %select_n3A_317] : memref<512x32xf32, #tpu.memory_space<vmem>>[vector<16xi32>, vector<16xi32>], vector<16xf32>,
      %mul3A_1050 = arith.mulf %gather3A_1048, %gather3A_1049 : vector<16xf32>
      %add3A_1051 = arith.addf %broadcast_in_dim3A_1036, %mul3A_1050 : vector<16xf32>
      %gather3A_1052 = tpu.vector_load_idx %arg11[%add3A_1029, %select_n3A_342] : memref<512x32xf32, #tpu.memory_space<vmem>>[vector<16xi32>, vector<16xi32>], vector<16xf32>,
      %gather3A_1053 = tpu.vector_load_idx %arg12[%add3A_1029, %select_n3A_342] : memref<512x32xf32, #tpu.memory_space<vmem>>[vector<16xi32>, vector<16xi32>], vector<16xf32>,
      %mul3A_1054 = arith.mulf %gather3A_1052, %gather3A_1053 : vector<16xf32>
      %add3A_1055 = arith.addf %add3A_1039, %mul3A_1054 : vector<16xf32>
      %gather3A_1056 = tpu.vector_load_idx %arg11[%add3A_1029, %select_n3A_367] : memref<512x32xf32, #tpu.memory_space<vmem>>[vector<16xi32>, vector<16xi32>], vector<16xf32>,
      %gather3A_1057 = tpu.vector_load_idx %arg12[%add3A_1029, %select_n3A_367] : memref<512x32xf32, #tpu.memory_space<vmem>>[vector<16xi32>, vector<16xi32>], vector<16xf32>,
      %mul3A_1058 = arith.mulf %gather3A_1056, %gather3A_1057 : vector<16xf32>
      %add3A_1059 = arith.addf %add3A_1043, %mul3A_1058 : vector<16xf32>
      %gather3A_1060 = tpu.vector_load_idx %arg11[%add3A_1029, %select_n3A_392] : memref<512x32xf32, #tpu.memory_space<vmem>>[vector<16xi32>, vector<16xi32>], vector<16xf32>,
      %gather3A_1061 = tpu.vector_load_idx %arg12[%add3A_1029, %select_n3A_392] : memref<512x32xf32, #tpu.memory_space<vmem>>[vector<16xi32>, vector<16xi32>], vector<16xf32>,
      %mul3A_1062 = arith.mulf %gather3A_1060, %gather3A_1061 : vector<16xf32>
      %add3A_1063 = arith.addf %add3A_1047, %mul3A_1062 : vector<16xf32>
      %gather3A_1064 = tpu.vector_load_idx %arg11[%add3A_1029, %select_n3A_417] : memref<512x32xf32, #tpu.memory_space<vmem>>[vector<16xi32>, vector<16xi32>], vector<16xf32>,
      %gather3A_1065 = tpu.vector_load_idx %arg12[%add3A_1029, %select_n3A_417] : memref<512x32xf32, #tpu.memory_space<vmem>>[vector<16xi32>, vector<16xi32>], vector<16xf32>,
      %mul3A_1066 = arith.mulf %gather3A_1064, %gather3A_1065 : vector<16xf32>
      %add3A_1067 = arith.addf %add3A_1051, %mul3A_1066 : vector<16xf32>
      %gather3A_1068 = tpu.vector_load_idx %arg11[%add3A_1029, %select_n3A_442] : memref<512x32xf32, #tpu.memory_space<vmem>>[vector<16xi32>, vector<16xi32>], vector<16xf32>,
      %gather3A_1069 = tpu.vector_load_idx %arg12[%add3A_1029, %select_n3A_442] : memref<512x32xf32, #tpu.memory_space<vmem>>[vector<16xi32>, vector<16xi32>], vector<16xf32>,
      %mul3A_1070 = arith.mulf %gather3A_1068, %gather3A_1069 : vector<16xf32>
      %add3A_1071 = arith.addf %add3A_1055, %mul3A_1070 : vector<16xf32>
      %gather3A_1072 = tpu.vector_load_idx %arg11[%add3A_1029, %select_n3A_467] : memref<512x32xf32, #tpu.memory_space<vmem>>[vector<16xi32>, vector<16xi32>], vector<16xf32>,
      %gather3A_1073 = tpu.vector_load_idx %arg12[%add3A_1029, %select_n3A_467] : memref<512x32xf32, #tpu.memory_space<vmem>>[vector<16xi32>, vector<16xi32>], vector<16xf32>,
      %mul3A_1074 = arith.mulf %gather3A_1072, %gather3A_1073 : vector<16xf32>
      %add3A_1075 = arith.addf %add3A_1059, %mul3A_1074 : vector<16xf32>
      %gather3A_1076 = tpu.vector_load_idx %arg11[%add3A_1029, %select_n3A_492] : memref<512x32xf32, #tpu.memory_space<vmem>>[vector<16xi32>, vector<16xi32>], vector<16xf32>,
      %gather3A_1077 = tpu.vector_load_idx %arg12[%add3A_1029, %select_n3A_492] : memref<512x32xf32, #tpu.memory_space<vmem>>[vector<16xi32>, vector<16xi32>], vector<16xf32>,
      %mul3A_1078 = arith.mulf %gather3A_1076, %gather3A_1077 : vector<16xf32>
      %add3A_1079 = arith.addf %add3A_1063, %mul3A_1078 : vector<16xf32>
      %gather3A_1080 = tpu.vector_load_idx %arg11[%add3A_1029, %select_n3A_517] : memref<512x32xf32, #tpu.memory_space<vmem>>[vector<16xi32>, vector<16xi32>], vector<16xf32>,
      %gather3A_1081 = tpu.vector_load_idx %arg12[%add3A_1029, %select_n3A_517] : memref<512x32xf32, #tpu.memory_space<vmem>>[vector<16xi32>, vector<16xi32>], vector<16xf32>,
      %mul3A_1082 = arith.mulf %gather3A_1080, %gather3A_1081 : vector<16xf32>
      %add3A_1083 = arith.addf %add3A_1067, %mul3A_1082 : vector<16xf32>
      %gather3A_1084 = tpu.vector_load_idx %arg11[%add3A_1029, %select_n3A_542] : memref<512x32xf32, #tpu.memory_space<vmem>>[vector<16xi32>, vector<16xi32>], vector<16xf32>,
      %gather3A_1085 = tpu.vector_load_idx %arg12[%add3A_1029, %select_n3A_542] : memref<512x32xf32, #tpu.memory_space<vmem>>[vector<16xi32>, vector<16xi32>], vector<16xf32>,
      %mul3A_1086 = arith.mulf %gather3A_1084, %gather3A_1085 : vector<16xf32>
      %add3A_1087 = arith.addf %add3A_1071, %mul3A_1086 : vector<16xf32>
      %gather3A_1088 = tpu.vector_load_idx %arg11[%add3A_1029, %select_n3A_567] : memref<512x32xf32, #tpu.memory_space<vmem>>[vector<16xi32>, vector<16xi32>], vector<16xf32>,
      %gather3A_1089 = tpu.vector_load_idx %arg12[%add3A_1029, %select_n3A_567] : memref<512x32xf32, #tpu.memory_space<vmem>>[vector<16xi32>, vector<16xi32>], vector<16xf32>,
      %mul3A_1090 = arith.mulf %gather3A_1088, %gather3A_1089 : vector<16xf32>
      %add3A_1091 = arith.addf %add3A_1075, %mul3A_1090 : vector<16xf32>
      %gather3A_1092 = tpu.vector_load_idx %arg11[%add3A_1029, %select_n3A_592] : memref<512x32xf32, #tpu.memory_space<vmem>>[vector<16xi32>, vector<16xi32>], vector<16xf32>,
      %gather3A_1093 = tpu.vector_load_idx %arg12[%add3A_1029, %select_n3A_592] : memref<512x32xf32, #tpu.memory_space<vmem>>[vector<16xi32>, vector<16xi32>], vector<16xf32>,
      %mul3A_1094 = arith.mulf %gather3A_1092, %gather3A_1093 : vector<16xf32>
      %add3A_1095 = arith.addf %add3A_1079, %mul3A_1094 : vector<16xf32>
      %gather3A_1096 = tpu.vector_load_idx %arg11[%add3A_1029, %select_n3A_617] : memref<512x32xf32, #tpu.memory_space<vmem>>[vector<16xi32>, vector<16xi32>], vector<16xf32>,
      %gather3A_1097 = tpu.vector_load_idx %arg12[%add3A_1029, %select_n3A_617] : memref<512x32xf32, #tpu.memory_space<vmem>>[vector<16xi32>, vector<16xi32>], vector<16xf32>,
      %mul3A_1098 = arith.mulf %gather3A_1096, %gather3A_1097 : vector<16xf32>
      %add3A_1099 = arith.addf %add3A_1083, %mul3A_1098 : vector<16xf32>
      %gather3A_1100 = tpu.vector_load_idx %arg11[%add3A_1029, %select_n3A_642] : memref<512x32xf32, #tpu.memory_space<vmem>>[vector<16xi32>, vector<16xi32>], vector<16xf32>,
      %gather3A_1101 = tpu.vector_load_idx %arg12[%add3A_1029, %select_n3A_642] : memref<512x32xf32, #tpu.memory_space<vmem>>[vector<16xi32>, vector<16xi32>], vector<16xf32>,
      %mul3A_1102 = arith.mulf %gather3A_1100, %gather3A_1101 : vector<16xf32>
      %add3A_1103 = arith.addf %add3A_1087, %mul3A_1102 : vector<16xf32>
      %gather3A_1104 = tpu.vector_load_idx %arg11[%add3A_1029, %select_n3A_667] : memref<512x32xf32, #tpu.memory_space<vmem>>[vector<16xi32>, vector<16xi32>], vector<16xf32>,
      %gather3A_1105 = tpu.vector_load_idx %arg12[%add3A_1029, %select_n3A_667] : memref<512x32xf32, #tpu.memory_space<vmem>>[vector<16xi32>, vector<16xi32>], vector<16xf32>,
      %mul3A_1106 = arith.mulf %gather3A_1104, %gather3A_1105 : vector<16xf32>
      %add3A_1107 = arith.addf %add3A_1091, %mul3A_1106 : vector<16xf32>
      %gather3A_1108 = tpu.vector_load_idx %arg11[%add3A_1029, %select_n3A_692] : memref<512x32xf32, #tpu.memory_space<vmem>>[vector<16xi32>, vector<16xi32>], vector<16xf32>,
      %gather3A_1109 = tpu.vector_load_idx %arg12[%add3A_1029, %select_n3A_692] : memref<512x32xf32, #tpu.memory_space<vmem>>[vector<16xi32>, vector<16xi32>], vector<16xf32>,
      %mul3A_1110 = arith.mulf %gather3A_1108, %gather3A_1109 : vector<16xf32>
      %add3A_1111 = arith.addf %add3A_1095, %mul3A_1110 : vector<16xf32>
      %gather3A_1112 = tpu.vector_load_idx %arg11[%add3A_1029, %select_n3A_717] : memref<512x32xf32, #tpu.memory_space<vmem>>[vector<16xi32>, vector<16xi32>], vector<16xf32>,
      %gather3A_1113 = tpu.vector_load_idx %arg12[%add3A_1029, %select_n3A_717] : memref<512x32xf32, #tpu.memory_space<vmem>>[vector<16xi32>, vector<16xi32>], vector<16xf32>,
      %mul3A_1114 = arith.mulf %gather3A_1112, %gather3A_1113 : vector<16xf32>
      %add3A_1115 = arith.addf %add3A_1099, %mul3A_1114 : vector<16xf32>
      %gather3A_1116 = tpu.vector_load_idx %arg11[%add3A_1029, %select_n3A_742] : memref<512x32xf32, #tpu.memory_space<vmem>>[vector<16xi32>, vector<16xi32>], vector<16xf32>,
      %gather3A_1117 = tpu.vector_load_idx %arg12[%add3A_1029, %select_n3A_742] : memref<512x32xf32, #tpu.memory_space<vmem>>[vector<16xi32>, vector<16xi32>], vector<16xf32>,
      %mul3A_1118 = arith.mulf %gather3A_1116, %gather3A_1117 : vector<16xf32>
      %add3A_1119 = arith.addf %add3A_1103, %mul3A_1118 : vector<16xf32>
      %gather3A_1120 = tpu.vector_load_idx %arg11[%add3A_1029, %select_n3A_767] : memref<512x32xf32, #tpu.memory_space<vmem>>[vector<16xi32>, vector<16xi32>], vector<16xf32>,
      %gather3A_1121 = tpu.vector_load_idx %arg12[%add3A_1029, %select_n3A_767] : memref<512x32xf32, #tpu.memory_space<vmem>>[vector<16xi32>, vector<16xi32>], vector<16xf32>,
      %mul3A_1122 = arith.mulf %gather3A_1120, %gather3A_1121 : vector<16xf32>
      %add3A_1123 = arith.addf %add3A_1107, %mul3A_1122 : vector<16xf32>
      %gather3A_1124 = tpu.vector_load_idx %arg11[%add3A_1029, %select_n3A_792] : memref<512x32xf32, #tpu.memory_space<vmem>>[vector<16xi32>, vector<16xi32>], vector<16xf32>,
      %gather3A_1125 = tpu.vector_load_idx %arg12[%add3A_1029, %select_n3A_792] : memref<512x32xf32, #tpu.memory_space<vmem>>[vector<16xi32>, vector<16xi32>], vector<16xf32>,
      %mul3A_1126 = arith.mulf %gather3A_1124, %gather3A_1125 : vector<16xf32>
      %add3A_1127 = arith.addf %add3A_1111, %mul3A_1126 : vector<16xf32>
      %gather3A_1128 = tpu.vector_load_idx %arg11[%add3A_1029, %select_n3A_817] : memref<512x32xf32, #tpu.memory_space<vmem>>[vector<16xi32>, vector<16xi32>], vector<16xf32>,
      %gather3A_1129 = tpu.vector_load_idx %arg12[%add3A_1029, %select_n3A_817] : memref<512x32xf32, #tpu.memory_space<vmem>>[vector<16xi32>, vector<16xi32>], vector<16xf32>,
      %mul3A_1130 = arith.mulf %gather3A_1128, %gather3A_1129 : vector<16xf32>
      %add3A_1131 = arith.addf %add3A_1115, %mul3A_1130 : vector<16xf32>
      %gather3A_1132 = tpu.vector_load_idx %arg11[%add3A_1029, %select_n3A_842] : memref<512x32xf32, #tpu.memory_space<vmem>>[vector<16xi32>, vector<16xi32>], vector<16xf32>,
      %gather3A_1133 = tpu.vector_load_idx %arg12[%add3A_1029, %select_n3A_842] : memref<512x32xf32, #tpu.memory_space<vmem>>[vector<16xi32>, vector<16xi32>], vector<16xf32>,
      %mul3A_1134 = arith.mulf %gather3A_1132, %gather3A_1133 : vector<16xf32>
      %add3A_1135 = arith.addf %add3A_1119, %mul3A_1134 : vector<16xf32>
      %gather3A_1136 = tpu.vector_load_idx %arg11[%add3A_1029, %select_n3A_867] : memref<512x32xf32, #tpu.memory_space<vmem>>[vector<16xi32>, vector<16xi32>], vector<16xf32>,
      %gather3A_1137 = tpu.vector_load_idx %arg12[%add3A_1029, %select_n3A_867] : memref<512x32xf32, #tpu.memory_space<vmem>>[vector<16xi32>, vector<16xi32>], vector<16xf32>,
      %mul3A_1138 = arith.mulf %gather3A_1136, %gather3A_1137 : vector<16xf32>
      %add3A_1139 = arith.addf %add3A_1123, %mul3A_1138 : vector<16xf32>
      %gather3A_1140 = tpu.vector_load_idx %arg11[%add3A_1029, %select_n3A_892] : memref<512x32xf32, #tpu.memory_space<vmem>>[vector<16xi32>, vector<16xi32>], vector<16xf32>,
      %gather3A_1141 = tpu.vector_load_idx %arg12[%add3A_1029, %select_n3A_892] : memref<512x32xf32, #tpu.memory_space<vmem>>[vector<16xi32>, vector<16xi32>], vector<16xf32>,
      %mul3A_1142 = arith.mulf %gather3A_1140, %gather3A_1141 : vector<16xf32>
      %add3A_1143 = arith.addf %add3A_1127, %mul3A_1142 : vector<16xf32>
      %gather3A_1144 = tpu.vector_load_idx %arg11[%add3A_1029, %select_n3A_917] : memref<512x32xf32, #tpu.memory_space<vmem>>[vector<16xi32>, vector<16xi32>], vector<16xf32>,
      %gather3A_1145 = tpu.vector_load_idx %arg12[%add3A_1029, %select_n3A_917] : memref<512x32xf32, #tpu.memory_space<vmem>>[vector<16xi32>, vector<16xi32>], vector<16xf32>,
      %mul3A_1146 = arith.mulf %gather3A_1144, %gather3A_1145 : vector<16xf32>
      %add3A_1147 = arith.addf %add3A_1131, %mul3A_1146 : vector<16xf32>
      %gather3A_1148 = tpu.vector_load_idx %arg11[%add3A_1029, %select_n3A_942] : memref<512x32xf32, #tpu.memory_space<vmem>>[vector<16xi32>, vector<16xi32>], vector<16xf32>,
      %gather3A_1149 = tpu.vector_load_idx %arg12[%add3A_1029, %select_n3A_942] : memref<512x32xf32, #tpu.memory_space<vmem>>[vector<16xi32>, vector<16xi32>], vector<16xf32>,
      %mul3A_1150 = arith.mulf %gather3A_1148, %gather3A_1149 : vector<16xf32>
      %add3A_1151 = arith.addf %add3A_1135, %mul3A_1150 : vector<16xf32>
      %gather3A_1152 = tpu.vector_load_idx %arg11[%add3A_1029, %select_n3A_967] : memref<512x32xf32, #tpu.memory_space<vmem>>[vector<16xi32>, vector<16xi32>], vector<16xf32>,
      %gather3A_1153 = tpu.vector_load_idx %arg12[%add3A_1029, %select_n3A_967] : memref<512x32xf32, #tpu.memory_space<vmem>>[vector<16xi32>, vector<16xi32>], vector<16xf32>,
      %mul3A_1154 = arith.mulf %gather3A_1152, %gather3A_1153 : vector<16xf32>
      %add3A_1155 = arith.addf %add3A_1139, %mul3A_1154 : vector<16xf32>
      %gather3A_1156 = tpu.vector_load_idx %arg11[%add3A_1029, %select_n3A_992] : memref<512x32xf32, #tpu.memory_space<vmem>>[vector<16xi32>, vector<16xi32>], vector<16xf32>,
      %gather3A_1157 = tpu.vector_load_idx %arg12[%add3A_1029, %select_n3A_992] : memref<512x32xf32, #tpu.memory_space<vmem>>[vector<16xi32>, vector<16xi32>], vector<16xf32>,
      %mul3A_1158 = arith.mulf %gather3A_1156, %gather3A_1157 : vector<16xf32>
      %add3A_1159 = arith.addf %add3A_1143, %mul3A_1158 : vector<16xf32>
      %gather3A_1160 = tpu.vector_load_idx %arg11[%add3A_1029, %select_n3A_1017] : memref<512x32xf32, #tpu.memory_space<vmem>>[vector<16xi32>, vector<16xi32>], vector<16xf32>,
      %gather3A_1161 = tpu.vector_load_idx %arg12[%add3A_1029, %select_n3A_1017] : memref<512x32xf32, #tpu.memory_space<vmem>>[vector<16xi32>, vector<16xi32>], vector<16xf32>,
      %mul3A_1162 = arith.mulf %gather3A_1160, %gather3A_1161 : vector<16xf32>
      %add3A_1163 = arith.addf %add3A_1147, %mul3A_1162 : vector<16xf32>
      %mul3A_1164 = arith.constant 16 : i32
      %mul3A_1165 = arith.muli %scan3A_1024, %mul3A_1164 : i32
      %get3A = arith.index_cast %mul3A_1165 : i32 to index
      %get3A_1166 = tpu.vector_load %arg13[%get3A] {strides = array<i32>} : memref<512xf32, #tpu.memory_space<vmem>>, vector<16xf32>,
      %mul3A_1167 = arith.constant 16 : i32
      %mul3A_1168 = arith.muli %scan3A_1024, %mul3A_1167 : i32
      %get3A_1169 = arith.index_cast %mul3A_1168 : i32 to index
      %get3A_1170 = tpu.vector_load %arg14[%get3A_1169] {strides = array<i32>} : memref<512xf32, #tpu.memory_space<vmem>>, vector<16xf32>,
      %add3A_1171 = arith.addf %add3A_1151, %add3A_1155 : vector<16xf32>
      %add3A_1172 = arith.addf %add3A_1159, %add3A_1163 : vector<16xf32>
      %add3A_1173 = arith.addf %add3A_1171, %add3A_1172 : vector<16xf32>
      %add3A_1174 = arith.addf %get3A_1166, %get3A_1170 : vector<16xf32>
      %add3A_1175 = arith.addf %add3A_1173, %add3A_1174 : vector<16xf32>
      %mul3A_1176 = arith.constant 16 : i32
      %mul3A_1177 = arith.muli %scan3A_1024, %mul3A_1176 : i32
      %swap3A = arith.index_cast %mul3A_1177 : i32 to index
      %swap3A_1178 = tpu.vector_load %arg15[%swap3A] {strides = array<i32>} : memref<512xf32, #tpu.memory_space<vmem>>, vector<16xf32>,
      tpu.vector_store %arg15[%swap3A], %add3A_1175 {strides = array<i32>} : memref<512xf32, #tpu.memory_space<vmem>>, vector<16xf32>,
      %scan3A_1179 = arith.constant 0 : i32
      scf.yield %scan3A_1179 : i32
    }
    %scan3A_1023 = arith.constant 32 : i32
    "tpu.region"() ({
      %run_scoped3A = tpu.sem_alloc : memref<!tpu.dma_semaphore, #tpu.memory_space<semaphore_mem>>
      %dma_start3A_1024 = tpu.memref_slice %arg8[%mul3A_2] : memref<16384xf32, #tpu.memory_space<hbm>> -> memref<512xf32, #tpu.memory_space<hbm>>
      %dma_start3A_1025 = tpu.memref_slice %arg8[%mul3A_2] : memref<16384xf32, #tpu.memory_space<hbm>> -> memref<512xf32, #tpu.memory_space<hbm>>
      tpu.enqueue_dma source(%arg15 : memref<512xf32, #tpu.memory_space<vmem>>) target(%dma_start3A_1025 : memref<512xf32, #tpu.memory_space<hbm>>) target_semaphore(%run_scoped3A : memref<!tpu.dma_semaphore, #tpu.memory_space<semaphore_mem>>)
      %dma_wait3A_1026 = tpu.memref_slice %arg8[%mul3A_2] : memref<16384xf32, #tpu.memory_space<hbm>> -> memref<512xf32, #tpu.memory_space<hbm>>
      %dma_wait3A_1027 = tpu.memref_slice %arg8[%mul3A_2] : memref<16384xf32, #tpu.memory_space<hbm>> -> memref<512xf32, #tpu.memory_space<hbm>>
      tpu.wait_dma2 semaphore(%run_scoped3A : memref<!tpu.dma_semaphore, #tpu.memory_space<semaphore_mem>>) src(%arg15 : memref<512xf32, #tpu.memory_space<vmem>>) dst(%dma_wait3A_1027 : memref<512xf32, #tpu.memory_space<hbm>>)
      tpu.yield
    }) : () -> ()
    return
  }
}

</mosaic_0001>

<sc_bundles>
// kernel: _mf.3.cloned.1.call-start
scs
__scs_entry_jumppad:
0x0: {  	(pc) =	sbr.rel $0x88, $3  }
0x1: {  	(tag) =	ssettag $0x0;
	lr =	simm.s32 $0x1  }
0x2: {  	[smem:$0x3F9B] =	sst lr;
	_ =	strace $0xD0000000  }
0x3: {  	_ = 	snop  }
0x4: {  	_ = 	snop  }
0x5: {  	_ = 	snop  }
0x6: {  	_ = 	snop  }
0x7: {  	_ = 	snop  }
__scs_overlays_trampoline_lowered:
0x8: {  	[smem:$0x3FAA] =	sst s0  }
0x9: {  	[smem:$0x3FAB] =	sst s1  }
0xa: {  	[smem:$0x3FAC] =	sst s2  }
0xb: {  	[smem:$0x3FAD] =	sst s3  }
0xc: {  	[smem:$0x3FAE] =	sst s4  }
0xd: {  	[smem:$0x3FAF] =	sst s5  }
0xe: {  	[smem:$0x3FB0] =	sst s6  }
0xf: {  	[smem:$0x3FB1] =	sst s7  }
0x10: {  	[smem:$0x3FB2] =	sst s8  }
0x11: {  	[smem:$0x3FB3] =	sst s9;
	s0 =	simm.s32 @!p0 $0x0  }
0x12: {  	s1 =	sld [smem:$0x3F99];
	s0 =	simm.s32 @p0 $0x1  }
0x13: {  	[smem:$0x3FB4] =	sst s0;
	s0 =	simm.s32 @!p1 $0x0  }
0x14: {  	s2 =	sld [smem:$0x3F98];
	s0 =	simm.s32 @p1 $0x1  }
0x15: {  	[smem:$0x3FB5] =	sst s0;
	s0 =	simm.s32 @!p2 $0x0  }
0x16: {  	s3 =	sld [smem:$0x3FDB];
	s0 =	simm.s32 @p2 $0x1  }
0x17: {  	s4 =	simm.s32 $0x1BF5;
	[smem:$0x3FB7] =	sst s0  }
0x18: {  	s0 =	sld [smem:$0x3F9A];
	_ =	swait.ge [sflag:s4], $0x0  }
0x19: {  	s7 =	sld [smem:$0x3F9B]  }
0x1a: {  	s8 =	sadd.s32 $0xFFFFE003, lr  }
0x1b: {  	s9 =	sadd.s32 $0xFFFFFEF7, lr;
	s5 =	simm.s32 $0xFFFFFFFF;
	p2 =	slt.u32 s8, $0xFFFFF086  }
0x1c: {  	p1 =	slt.u32 s9, $0xF7A;
	s5 =	simm.s32 @!p2 $0x0  }
0x1d: {  	s5 =	simm.s32 @p1 $0x1;
	p0 =	seq.s32 s7, s2  }
0x1e: {  	s7 =	smul.u32 @!p0 $0xF7A, s2;
	p2 =	seq.s32 @!p0 s5, $0x0  }
0x1f: {  	s9 =	smul.u32 $0xF7A, s1;
	s8 =	simm.s32 @!p0 $0x1BF5;
	p2 =	por !p2, p0  }
0x20: {  	[sflag:s8] =	ssyncset.s32 @!p0 $0xFFFFF086;
	s6 =	sadd.s32 @!p0 s3, s7;
	s7 =	simm.s32 @!p0 $0x108  }
0x21: {  	s3 =	sadd.s32 s3, s9;
	s6 =	sadd.s32 @!p0 $0x88, s6;
	s7 =	simm.s32 @p2 $0x1082  }
0x22: {  	[simem:s7], [sflag:s8] =	dma.local @!p0 [hbm:s6], $0xF7A  }
0x23: {  	s9 =	sor.u32 $0xD0000000, s2;
	s6 =	simm.s32 $0x108;
	_ =	swait.ge @!p0 [sflag:s8], $0x0  }
0x24: {  	s3 =	sadd.s32 $0x88, s3;
	s6 =	simm.s32 @!p1 $0x1082;
	[sflag:s4] =	ssyncset.s32 $0xFFFFF086  }
0x25: {  	[simem:s6], [sflag:s4] =	dma.local [hbm:s3], $0xF7A  }
0x26: {  	[smem:$0x3F9B] =	sst s1;
	(tag) =	ssettag s2;
	_ =	strace s9  }
0x27: {  	s1 =	sld [smem:$0x3FAB]  }
0x28: {  	s2 =	sld [smem:$0x3FAC]  }
0x29: {  	s4 =	sld [smem:$0x3FAE]  }
0x2a: {  	p0 =	seq.s32 s5, $0x0;
	s5 =	sld [smem:$0x3FAF]  }
0x2b: {  	s6 =	sld [smem:$0x3FB0]  }
0x2c: {  	s7 =	sld [smem:$0x3FB1]  }
0x2d: {  	s3 =	simm.s32 $0x108;
	s8 =	sld [smem:$0x3FB2]  }
0x2e: {  	s3 =	simm.s32 @!p0 $0x1082;
	s9 =	sld [smem:$0x3FB3]  }
0x2f: {  	lr =	sadd.s32 s0, s3;
	s0 =	sld [smem:$0x3FAA]  }
0x30: {  	s3 =	sld [smem:$0x3FAD]  }
0x31: {  	[smem:$0x3FB6] =	sst s10  }
0x32: {  	s10 =	sld [smem:$0x3FB4];
	_ =	sdelay $0x3  }
0x33: {  	p0 =	seq.s32 s10, $0x1;
	s10 =	sld [smem:$0x3FB6];
	_ =	sdelay $0x3  }
0x34: {  	[smem:$0x3FB6] =	sst s10  }
0x35: {  	s10 =	sld [smem:$0x3FB5];
	_ =	sdelay $0x3  }
0x36: {  	p1 =	seq.s32 s10, $0x1;
	s10 =	sld [smem:$0x3FB6];
	_ =	sdelay $0x3  }
0x37: {  	[smem:$0x3FB6] =	sst s10  }
0x38: {  	s10 =	sld [smem:$0x3FB7]  }
0x39: {  	_ = 	snop;
	(pc) =	sbr.ind lr, $3  }
0x3a: {  	_ = 	snop  }
0x3b: {  	_ = 	snop  }
0x3c: {  	p2 =	seq.s32 s10, $0x1;
	s10 =	sld [smem:$0x3FB6]  }
0x3d: {  	_ =	shalt  }
0x3e: {  	_ =	shalt  }
0x3f: {  	_ =	shalt  }
0x40: {  	_ =	shalt  }
0x41: {  	_ =	shalt  }
0x42: {  	_ =	shalt  }
0x43: {  	_ =	shalt  }
0x44: {  	_ =	shalt  }
0x45: {  	_ =	shalt  }
0x46: {  	_ =	shalt  }
0x47: {  	_ =	shalt  }
0x48: {  	_ =	shalt  }
0x49: {  	_ =	shalt  }
0x4a: {  	_ =	shalt  }
0x4b: {  	_ =	shalt  }
0x4c: {  	_ =	shalt  }
0x4d: {  	_ =	shalt  }
0x4e: {  	_ =	shalt  }
0x4f: {  	_ =	shalt  }
0x50: {  	_ =	shalt  }
0x51: {  	_ =	shalt  }
0x52: {  	_ =	shalt  }
0x53: {  	_ =	shalt  }
0x54: {  	_ =	shalt  }
0x55: {  	_ =	shalt  }
0x56: {  	_ =	shalt  }
0x57: {  	_ =	shalt  }
0x58: {  	_ =	shalt  }
0x59: {  	_ =	shalt  }
0x5a: {  	_ =	shalt  }
0x5b: {  	_ =	shalt  }
0x5c: {  	_ =	shalt  }
0x5d: {  	_ =	shalt  }
0x5e: {  	_ =	shalt  }
0x5f: {  	_ =	shalt  }
0x60: {  	_ =	shalt  }
0x61: {  	_ =	shalt  }
0x62: {  	_ =	shalt  }
0x63: {  	_ =	shalt  }
0x64: {  	_ =	shalt  }
0x65: {  	_ =	shalt  }
0x66: {  	_ =	shalt  }
0x67: {  	_ =	shalt  }
0x68: {  	_ =	shalt  }
0x69: {  	_ =	shalt  }
0x6a: {  	_ =	shalt  }
0x6b: {  	_ =	shalt  }
0x6c: {  	_ =	shalt  }
0x6d: {  	_ =	shalt  }
0x6e: {  	_ =	shalt  }
0x6f: {  	_ =	shalt  }
0x70: {  	_ =	shalt  }
0x71: {  	_ =	shalt  }
0x72: {  	_ =	shalt  }
0x73: {  	_ =	shalt  }
0x74: {  	_ =	shalt  }
0x75: {  	_ =	shalt  }
0x76: {  	_ =	shalt  }
0x77: {  	_ =	shalt  }
0x78: {  	_ =	shalt  }
0x79: {  	_ =	shalt  }
0x7a: {  	_ =	shalt  }
0x7b: {  	_ =	shalt  }
0x7c: {  	_ =	shalt  }
0x7d: {  	_ =	shalt  }
0x7e: {  	_ =	shalt  }
0x7f: {  	_ =	shalt  }
0x80: {  	_ =	shalt  }
0x81: {  	_ =	shalt  }
0x82: {  	_ =	shalt  }
0x83: {  	_ =	shalt  }
0x84: {  	_ =	shalt  }
0x85: {  	_ =	shalt  }
0x86: {  	_ =	shalt  }
0x87: {  	_ =	shalt  }
.Lfunc_end0:
.L_simem_size_0:
called_computation_lowered:
.L_overlay_start_0:
0x88: {  	s2 =	sld [smem:$0x3FD9]  }
0x89: {  	s3 =	sld [smem:$0x3FFE];
	_ =	sdelay $0x1  }
0x8a: {  	s1 =	srdreg.scid  }
0x8b: {  	s0 =	sand.u32 $0x1, s1  }
0x8c: {  	s17 =	sshll.u32 s0, $0xA;
	s2 =	sadd.s32 s3, s2  }
0x8d: {  	s2 =	sadd.s32 s2, s17  }
0x8e: {  	[smem:$0x3FC2] =	sst s2  }
0x8f: {  	_ = 	snop  }
0x90: {  	s2 =	sld [smem:$0x3FC9]  }
0x91: {  	s18 =	sld [smem:$0x3FC8]  }
0x92: {  	s4 =	sld [smem:$0x3FC5]  }
0x93: {  	s5 =	sld [smem:$0x3FC4]  }
0x94: {  	s6 =	sld [smem:$0x3FD0];
	(tm) =	ssettm $0x1  }
0x95: {  	s7 =	sld [smem:$0x3FFB];
	_ =	sdelay $0x3  }
0x96: {  	_ =	strace s7  }
0x97: {  	s7 =	sld [smem:$0x3FFC];
	_ =	sdelay $0x3  }
0x98: {  	_ =	strace s7  }
0x99: {  	s7 =	sld [smem:$0x3FFD];
	_ =	sdelay $0x3  }
0x9a: {  	_ =	strace s7  }
0x9b: {  	_ =	strace $0x8FFFFFFF  }
0x9c: {  	s19 =	sld [smem:$0x3FDB];
	_ =	sdelay $0x1  }
0x9d: {  	s8 =	simm.s32 $_scs_section_size  }
0x9e: {  	s9 =	simm.s32 $_size__tile_overlayer_lowered;
	s10 =	simm.s32 $_tile_overlayer_lowered  }
0x9f: {  	s22 =	simm.s32 $0x1BFF;
	s21 =	sshll.u32 s10, $0x1;
	s7 =	sadd.s32 s8, s19  }
0xa0: {  	s11 =	simm.s32 $0x0;
	s20 =	sshll.u32 s9, $0x1;
	s9 =	sadd.s32 s21, s7  }
0xa1: {  	[timem:s11], [sflag:s22] =	dma.local [hbm:s9], s20  }
0xa2: {  	_ =	swait.ge [sflag:s22], s20  }
0xa3: {  	s8 =	ssub.s32 $0x0, s20;
	[sflag:s22] =	ssyncset.done $0x0  }
0xa4: {  	[sflag:s22] =	ssyncadd.s32 s8;
	_ =	sdelay $0x1  }
0xa5: {  	s23 =	simm.s32 $0x1B8B  }
0xa6: {  	_ =	swait.ge [sflag:s23], $0x1  }
0xa7: {  	[sflag:s23] =	ssyncset.done $0x0  }
0xa8: {  	s25 =	simm.s32 $0x1B8E;
	s24 =	sld [smem:$0x3FFE];
	[sflag:s23] =	ssyncadd.s32 $0xFFFFFFFF  }
0xa9: {  	s26 =	simm.s32 $execute0_lowered;
	[smem:$0x3FD2] =	sst s25  }
0xaa: {  	s9 =	sshll.u32 s26, $0x1;
	_ =	strace $0x80000046;
	[dreg:$0x1] =	wrdreg $0xFFFFFFFF  }
0xab: {  	s28 =	simm.s32 $_size_execute0_lowered;
	s7 =	sadd.s32 s7, s9;
	[dreg:$0x0] =	wrdreg $0x0  }
0xac: {  	s9 =	sshll.u32 s28, $0x1;
	[dreg:$0x2] =	wrdreg s7  }
0xad: {  	[dreg:$0x3] =	wrdreg s9  }
0xae: {  	[dreg:$0x4] =	wrdreg $0xC0  }
0xaf: {  	_ =	task [dreg:s11], $0x5FFFF  }
0xb0: {  	[dreg:$0x1] =	wrdreg $0xFFFFFFFF  }
0xb1: {  	[dreg:$0x0] =	wrdreg $0x60  }
0xb2: {  	[dreg:$0x2] =	wrdreg s2  }
0xb3: {  	[dreg:$0x3] =	wrdreg s18  }
0xb4: {  	[dreg:$0x4] =	wrdreg s24  }
0xb5: {  	[dreg:$0x5] =	wrdreg s4  }
0xb6: {  	[dreg:$0x6] =	wrdreg s5  }
0xb7: {  	[dreg:$0x7] =	wrdreg s6  }
0xb8: {  	[dreg:$0x8] =	wrdreg $0x9  }
0xb9: {  	_ =	task.clear_ibuf [dreg:s11], $0x9FFFF;
	_ =	strace $0x90000046  }
0xba: {  	s29 =	simm.s32 $0x9;
	_ =	strace $0x80000048  }
0xbb: {  	_ =	swait.ge [sflag:s29], $0x1  }
0xbc: {  	[sflag:s29] =	ssyncadd.s32 $0xFFFFFFFF  }
0xbd: {  	_ =	strace $0x90000048  }
0xbe: {  	_ =	sfence  }
0xbf: {  	s30 =	sld [smem:$0x0];
	_ =	sdelay $0x2  }
0xc0: {  	s31 =	sshll.u32 s1, $0xD;
	s1 =	sshrl.u32 s1, $0x2  }
0xc1: {  	s3 =	sand.u32 $0x4000, s31;
	s1 =	sadd.s32 s1, s30  }
0xc2: {  	s0 =	sor.u32 s3, s0;
	s1 =	sshll.u32 s1, $0x11  }
0xc3: {  	s0 =	sor.u32 s1, s0  }
0xc4: {  	s0 =	sadd.s32 $0x8F2B, s0  }
0xc5: {  	[sflag:s0] =	ssyncadd.remote.s32 $0x1  }
0xc6: {  	_ =	sfence.sel $0xFFFF  }
0xc7: {  	[dreg:$0x0] =	wrdreg $0xFFFFFFFF;
	(pc) =	sbr.abs _section_cstart, $3  }
0xc8: {  	[dreg:$0x1] =	wrdreg $0xFFFFFFFF  }
0xc9: {  	_ =	task.clear_ibuf [dreg:s11], $0x2FFFF;
	_ =	strace $0x9FFFFFFF  }
0xca: {  	(tm) =	ssettm $0x7FFFFFFF  }
0xcb: {  	_ =	shalt  }
tec
execute0_lowered:
.L_overlay_start_1:
0x0: {  	(tag) =	ssettag $0x1  }
0x1: {  	v15 =	vlaneseq.u32  }
0x2: {  	v59 =	vimm.s32 $0x14131211;
	v1 =	vimm.s32 $0x18171615;
	v2 =	vimm.s32 $0x1C1B1A19  }
0x3: {  	v3 =	vimm.s32 $0x1F1E1D;
	v4 =	vimm.s32 $0x15141312;
	v5 =	vimm.s32 $0x19181716  }
0x4: {  	vm0 =	vcmask $0x1F10;
	v7 =	vimm.s32 $0x1D1C1B1A;
	v32 =	vimm.s32 $0x1001F1E  }
0x5: {  	v8 =	vimm.s32 $0x16151413;
	v9 =	vimm.s32 $0x1A191817;
	v10 =	vimm.s32 $0x1E1D1C1B  }
0x6: {  	v11 =	vimm.s32 $0x201001F;
	v12 =	vimm.s32 $0x3020100;
	v13 =	vimm.s32 $0x1F1E1D1C  }
0x7: {  	v14 =	vimm.s32 $0x17161514;
	v18 =	vimm.s32 $0x1B1A1918;
	v19 =	vimm.s32 $0x4030201  }
0x8: {  	v40 =	vimm.s32 $0x98765432;
	v44 =	vimm.s32 $0xA9876543;
	vm15 =	vcmask $0x2F10  }
0x9: {  	v0 =	vadd.s32 $0x3, v15;
	v55 =	vadd.s32 $0x7, v15;
	v56 =	vadd.s32 $0xB, v15  }
0xa: {  	v58 =	vadd.s32 $0xF, v15;
	v1 =	vunpack.c.0.s8.s32 v1;
	v2 =	vunpack.c.0.s8.s32 v2  }
0xb: {  	v3 =	vunpack.c.0.s8.s32 v3;
	v4 =	vunpack.c.0.s8.s32 v4;
	v5 =	vunpack.c.0.s8.s32 v5  }
0xc: {  	v62 =	vunpack.c.0.s8.s32 v7;
	v7 =	vunpack.c.0.s8.s32 v32;
	v8 =	vunpack.c.0.s8.s32 v8  }
0xd: {  	v9 =	vunpack.c.0.s8.s32 v9;
	v10 =	vunpack.c.0.s8.s32 v10;
	v11 =	vunpack.c.0.s8.s32 v11  }
0xe: {  	v12 =	vunpack.c.0.s8.s32 v12;
	v13 =	vunpack.c.0.s8.s32 v13;
	v14 =	vunpack.c.0.s8.s32 v14  }
0xf: {  	v24 =	vunpack.c.0.s8.s32 v18;
	v42 =	vunpack.c.l.s4.s8 v40;
	[tilespmem:$0x1FE70] =	vst v0;
	v0 =	vunpack.c.0.s8.s32 v59  }
0x10: {  	[tilespmem:$0x1FE80] =	vst v55;
	v55 =	vimm.s32 $0x6543A987;
	v6 =	vsel vm0, v3, v2;
	v60 =	vsel vm0, v5, v4  }
0x11: {  	v8 =	vsel vm0, v9, v8;
	v25 =	vsel vm0, v11, v10;
	v12 =	vsel vm0, v12, v13  }
0x12: {  	v14 =	vsel vm0, v24, v14;
	v4 =	vsel vm0, v62, v5;
	v36 =	vsel vm0, v10, v9  }
0x13: {  	v5 =	vunpack.c.l.s4.s8 v44;
	v0 =	vsel vm0, v1, v0;
	v20 =	vcombine.low v14, v12  }
0x14: {  	v12 =	vunpack.c.0.s8.s32 v19;
	v14 =	vimm.s32 $0x5040302;
	v1 =	vsel vm0, v2, v1  }
0x15: {  	v34 =	vcombine.low v8, v25;
	v33 =	vunpack.c.0.s8.s32 v14;
	v14 =	vimm.s32 $0x6050403  }
0x16: {  	v50 =	vunpack.c.0.s8.s32 v5;
	v5 =	vunpack.c.l.s4.s8 v55;
	v8 =	vsel vm0, v12, v3  }
0x17: {  	s2 =	rddreg [dreg:$0x0];
	v37 =	vcombine.low v0, v6;
	v35 =	vunpack.c.0.s8.s32 v14;
	v14 =	vcombine.low v1, v8  }
0x18: {  	s4 =	rddreg [dreg:$0x1];
	v1 =	vunpack.c.0.s8.s32 v42;
	v8 =	vimm.s32 $0x32107654;
	v5 =	vunpack.c.0.s8.s32 v5  }
0x19: {  	s6 =	rddreg [dreg:$0x2];
	[tilespmem:$0x1FE90] =	vst v56;
	v0 =	vsel vm0, v35, v11;
	v47 =	vunpack.c.l.s4.s8 v8;
	v8 =	vimm.s32 $0xE0D0C0B  }
0x1a: {  	s0 =	rddreg [dreg:$0x3];
	[tilespmem:$0x1FEA0] =	vst v58;
	v0 =	vcombine.low v36, v0;
	v48 =	vand.u32 $0xF, v1;
	v1 =	vand.u32 $0xF, v50  }
0x1b: {  	s1 =	rddreg [dreg:$0x4];
	s3 =	simm.s32 $0x0;
	[tilespmem:$0x1FEB0] =	vst v34;
	v5 =	vand.u32 $0xF, v5;
	v8 =	vunpack.c.0.s8.s32 v8;
	v1 =	vcombine.low v25, v1  }
0x1c: {  	vm1 =	vcmask $0x3F30;
	[smem:$0x7FF] =	sst s3;
	v5 =	vsel vm15, v5, v11;
	[tilespmem:$0x1FEC0] =	vst v0  }
0x1d: {  	s9 =	rddreg [dreg:$0x5];
	v32 =	vsel vm0, v7, v62;
	v2 =	vsel vm0, v33, v7;
	v62 =	vsel vm1, v8, v5;
	_ =	strace $0x80000047;
	[tilespmem:$0x1FED0] =	vst v1  }
0x1e: {  	v30 =	vcombine.low v4, v2;
	[tilespmem:$0x1FEE0] =	vst v62  }
0x1f: {  	[tilespmem:$0x1FF00] =	vst v14  }
0x20: {  	v38 =	vimm.s32 $0x76543210;
	v39 =	vimm.s32 $0x87654321;
	[tilespmem:$0x1FF10] =	vst v30  }
0x21: {  	v53 =	vimm.s32 $0x43218765;
	v54 =	vimm.s32 $0x54329876;
	v22 =	vmul.u32 $0x20, v15;
	[tilespmem:$0x1FF20] =	vst v20  }
0x22: {  	v61 =	vadd.s32 $0x1, v15;
	v63 =	vadd.s32 $0x2, v15;
	v45 =	vadd.s32 $0xE, v15;
	[tilespmem:$0x1FF30] =	vst v37  }
0x23: {  	v23 =	vadd.s32 $0x5, v15;
	v49 =	vadd.s32 $0x9, v15;
	v2 =	vunpack.c.l.s4.s8 v38;
	[tilespmem:$0x1FF40] =	vst v45  }
0x24: {  	v43 =	vadd.s32 $0xD, v15;
	v4 =	vunpack.c.l.s4.s8 v39;
	v16 =	vcombine.low v32, v48;
	[tilespmem:$0x1FF50] =	vst v49  }
0x25: {  	s7 =	srdreg.scid;
	s10 =	stileid.u32;
	s12 =	simm.s32 $0x200;
	v57 =	vadd.s32 $0x6, v15;
	v27 =	vadd.s32 $0x8, v15;
	v2 =	vunpack.c.0.s8.s32 v2;
	[tilespmem:$0x1FF60] =	vst v43  }
0x26: {  	s13 =	simm.s32 $0x400;
	s14 =	simm.s32 $0x4400;
	s16 =	simm.s32 $0x280;
	v51 =	vadd.s32 $0xA, v15;
	v41 =	vsel vm0, v13, v24;
	v4 =	vunpack.c.0.s8.s32 v4;
	[tilespmem:$0x1FF70] =	vst v16  }
0x27: {  	s21 =	simm.s32 $0x80;
	s22 =	simm.s32 $0x300;
	s24 =	simm.s32 $0x100;
	v17 =	vadd.s32 $0xC, v15;
	v56 =	vimm.s32 $0xB0A0908;
	v10 =	vcombine.low v41, v2;
	[tilespmem:$0x1FF80] =	vst v27  }
0x28: {  	s26 =	simm.s32 $0x8700;
	s28 =	simm.s32 $0x180;
	s29 =	simm.s32 $0x3400;
	v46 =	vand.u32 $0xF, v4;
	v2 =	vunpack.c.l.s4.s8 v53;
	v4 =	vunpack.c.l.s4.s8 v54;
	[tilespmem:$0x1FF90] =	vst v51  }
0x29: {  	s30 =	simm.s32 $0x380;
	s31 =	simm.s32 $0x7400;
	s15 =	simm.s32 $0x1;
	v59 =	vimm.s32 $0xC0B0A09;
	v31 =	vcombine.low v60, v32;
	v52 =	vunpack.c.0.s8.s32 v47;
	[tilespmem:$0x1FFA0] =	vst v17  }
0x2a: {  	s17 =	simm.s32 $0x8800;
	s18 =	simm.s32 $0x0;
	s7 =	sand.u32 $0x1, s7;
	v60 =	vimm.s32 $0xD0C0B0A;
	[tilespmem:$0x1FFC0] =	vst v57;
	v2 =	vunpack.c.0.s8.s32 v2;
	v4 =	vunpack.c.0.s8.s32 v4  }
0x2b: {  	s10 =	sshll.u32 s10, $0x6;
	s8 =	ssub.s32 $0x2, s7;
	s7 =	sshll.u32 s7, $0xA;
	v0 =	vand.u32 $0xF, v52;
	[tilespmem:$0x1FFD0] =	vst v23;
	v26 =	vcombine.low v6, v46;
	v6 =	vunpack.c.0.s8.s32 v56  }
0x2c: {  	s5 =	sadd.s32 $0xF42A00, s6;
	s11 =	sshrl.u32 s8, $0x1;
	s10 =	sor.u32 s10, s7;
	[tilespmem:$0x1FFE0] =	vst v31;
	v2 =	vand.u32 $0xF, v2;
	v58 =	vand.u32 $0xF, v4;
	v4 =	vunpack.c.0.s8.s32 v59  }
0x2d: {  	s6 =	sadd.s32 $0x187000, s6;
	s11 =	ssub.s32 s8, s11;
	s7 =	sadd.s32 s2, s10;
	[tilespmem:$0x1FFF0] =	vst v22;
	v2 =	vsel vm15, v2, v3;
	v3 =	vsel vm15, v58, v7;
	v7 =	vunpack.c.0.s8.s32 v60  }
0x2e: {  	v21 =	vadd.s32 $0x4, v15;
	s8 =	sadd.s32 s4, s10;
	s9 =	sadd.s32 s9, s10;
	s2 =	simm.s32 $0x8580;
	v32 =	vor.u32 $0x10, v15;
	v0 =	vsel vm15, v0, v13;
	[tilespmem:$0x1FFB0] =	vst v10  }
0x2f: {  	s4 =	simm.s32 $0x8780;
	s10 =	smax.u32 s11, $0x1;
	s11 =	simm.s32 $0x2;
	v28 =	vsel vm1, v6, v0;
	[tilespmem:$0x1FEF0] =	vst v26;
	v25 =	vsel vm1, v4, v2;
	v29 =	vsel vm1, v7, v3  }
.LBB2_1:
0x30: {  	[tilespmem:s3], [sflag:$0x2] =	stream.linear.gather [hbm4b:s7+s3], $0x200, $0x38;
	[tilespmem:$0x8A00] =	vst v63  }
0x31: {  	_ =	swait.ge [sflag:s11], $0x200  }
0x32: {  	[sflag:s11] =	ssyncset.done $0x0  }
0x33: {  	[sflag:s11] =	ssyncadd.s32 $0xFFFFFE00  }
0x34: {  	[tilespmem:s12], [sflag:$0x2] =	stream.linear.gather [hbm4b:s8+s3], $0x200, $0x38;
	[tilespmem:$0x8A00] =	vst v63  }
0x35: {  	_ =	swait.ge [sflag:s11], $0x200  }
0x36: {  	[sflag:s11] =	ssyncset.done $0x0  }
0x37: {  	[sflag:s11] =	ssyncadd.s32 $0xFFFFFE00  }
0x38: {  	[tilespmem:s13], [sflag:$0x1] =	stream.indirect.gather [hbm4b:s5+s21], $0x20, s3, s21, $0xb8;
	[tilespmem:$0x8A00] =	vst v63  }
0x39: {  	_ = 	snop  }
0x3a: {  	[tilespmem:s14], [sflag:$0x1] =	stream.indirect.gather [hbm4b:s6+s21], $0x20, s12, s21, $0xb8;
	[tilespmem:$0x8A00] =	vst v63  }
0x3b: {  	s20 =	simm.s32 $0x8400  }
0x3c: {  	[tilespmem:s20], [sflag:$0x1] =	stream.indirect.gather [hbm4b:s0+s21], $0x1, s3, s21, $0xb8;
	[tilespmem:$0x8A00] =	vst v63  }
0x3d: {  	s19 =	simm.s32 $0x8600  }
0x3e: {  	[tilespmem:s19], [sflag:$0x1] =	stream.indirect.gather [hbm4b:s1+s21], $0x1, s12, s21, $0xb8;
	[tilespmem:$0x8A00] =	vst v63  }
0x3f: {  	s23 =	simm.s32 $0x1400  }
0x40: {  	[tilespmem:s23], [sflag:$0x1] =	stream.indirect.gather [hbm4b:s5+s21], $0x20, s21, s21, $0xb8;
	[tilespmem:$0x8A00] =	vst v63  }
0x41: {  	s25 =	simm.s32 $0x5400  }
0x42: {  	[tilespmem:s25], [sflag:$0x1] =	stream.indirect.gather [hbm4b:s6+s21], $0x20, s16, s21, $0xb8;
	[tilespmem:$0x8A00] =	vst v63  }
0x43: {  	s25 =	simm.s32 $0x8480  }
0x44: {  	[tilespmem:s25], [sflag:$0x1] =	stream.indirect.gather [hbm4b:s0+s21], $0x1, s21, s21, $0xb8;
	[tilespmem:$0x8A00] =	vst v63  }
0x45: {  	s25 =	simm.s32 $0x8680  }
0x46: {  	[tilespmem:s25], [sflag:$0x1] =	stream.indirect.gather [hbm4b:s1+s21], $0x1, s16, s21, $0xb8;
	[tilespmem:$0x8A00] =	vst v63  }
0x47: {  	s25 =	simm.s32 $0x2400  }
0x48: {  	[tilespmem:s25], [sflag:$0x1] =	stream.indirect.gather [hbm4b:s5+s21], $0x20, s24, s21, $0xb8;
	[tilespmem:$0x8A00] =	vst v63  }
0x49: {  	s25 =	simm.s32 $0x6400  }
0x4a: {  	[tilespmem:s25], [sflag:$0x1] =	stream.indirect.gather [hbm4b:s6+s21], $0x20, s22, s21, $0xb8;
	[tilespmem:$0x8A00] =	vst v63  }
0x4b: {  	s25 =	simm.s32 $0x8500  }
0x4c: {  	[tilespmem:s25], [sflag:$0x1] =	stream.indirect.gather [hbm4b:s0+s21], $0x1, s24, s21, $0xb8;
	[tilespmem:$0x8A00] =	vst v63  }
0x4d: {  	_ = 	snop  }
0x4e: {  	[tilespmem:s26], [sflag:$0x1] =	stream.indirect.gather [hbm4b:s1+s21], $0x1, s22, s21, $0xb8;
	[tilespmem:$0x8A00] =	vst v63  }
0x4f: {  	_ = 	snop  }
0x50: {  	[tilespmem:s29], [sflag:$0x1] =	stream.indirect.gather [hbm4b:s5+s21], $0x20, s28, s21, $0xb8;
	[tilespmem:$0x8A00] =	vst v63  }
0x51: {  	_ = 	snop  }
0x52: {  	[tilespmem:s31], [sflag:$0x1] =	stream.indirect.gather [hbm4b:s6+s21], $0x20, s30, s21, $0xb8;
	[tilespmem:$0x8A00] =	vst v63  }
0x53: {  	_ = 	snop  }
0x54: {  	[tilespmem:s2], [sflag:$0x1] =	stream.indirect.gather [hbm4b:s0+s21], $0x1, s28, s21, $0xb8;
	[tilespmem:$0x8A00] =	vst v63  }
0x55: {  	_ = 	snop  }
0x56: {  	[tilespmem:s4], [sflag:$0x1] =	stream.indirect.gather [hbm4b:s1+s21], $0x1, s30, s21, $0xb8;
	[tilespmem:$0x8A00] =	vst v63  }
0x57: {  	_ =	swait.ge [sflag:s15], $0x1000  }
0x58: {  	[sflag:s15] =	ssyncset.done $0x0  }
0x59: {  	[sflag:s15] =	ssyncadd.s32 $0xFFFFF000  }
0x5a: {  	_ =	swait.ge [sflag:s15], $0x1000  }
0x5b: {  	[sflag:s15] =	ssyncset.done $0x0  }
0x5c: {  	[sflag:s15] =	ssyncadd.s32 $0xFFFFF000  }
0x5d: {  	_ =	swait.ge [sflag:s15], $0x80  }
0x5e: {  	[sflag:s15] =	ssyncset.done $0x0  }
0x5f: {  	[sflag:s15] =	ssyncadd.s32 $0xFFFFFF80  }
0x60: {  	_ =	swait.ge [sflag:s15], $0x80  }
0x61: {  	[sflag:s15] =	ssyncset.done $0x0  }
0x62: {  	[sflag:s15] =	ssyncadd.s32 $0xFFFFFF80  }
0x63: {  	_ =	swait.ge [sflag:s15], $0x1000  }
0x64: {  	[sflag:s15] =	ssyncset.done $0x0  }
0x65: {  	[sflag:s15] =	ssyncadd.s32 $0xFFFFF000  }
0x66: {  	_ =	swait.ge [sflag:s15], $0x1000  }
0x67: {  	[sflag:s15] =	ssyncset.done $0x0  }
0x68: {  	[sflag:s15] =	ssyncadd.s32 $0xFFFFF000  }
0x69: {  	_ =	swait.ge [sflag:s15], $0x80  }
0x6a: {  	[sflag:s15] =	ssyncset.done $0x0  }
0x6b: {  	[sflag:s15] =	ssyncadd.s32 $0xFFFFFF80  }
0x6c: {  	_ =	swait.ge [sflag:s15], $0x80  }
0x6d: {  	[sflag:s15] =	ssyncset.done $0x0  }
0x6e: {  	[sflag:s15] =	ssyncadd.s32 $0xFFFFFF80  }
0x6f: {  	_ =	swait.ge [sflag:s15], $0x1000  }
0x70: {  	[sflag:s15] =	ssyncset.done $0x0  }
0x71: {  	[sflag:s15] =	ssyncadd.s32 $0xFFFFF000  }
0x72: {  	_ =	swait.ge [sflag:s15], $0x1000  }
0x73: {  	[sflag:s15] =	ssyncset.done $0x0  }
0x74: {  	[sflag:s15] =	ssyncadd.s32 $0xFFFFF000  }
0x75: {  	_ =	swait.ge [sflag:s15], $0x80  }
0x76: {  	[sflag:s15] =	ssyncset.done $0x0  }
0x77: {  	[sflag:s15] =	ssyncadd.s32 $0xFFFFFF80  }
0x78: {  	_ =	swait.ge [sflag:s15], $0x80  }
0x79: {  	[sflag:s15] =	ssyncset.done $0x0  }
0x7a: {  	[sflag:s15] =	ssyncadd.s32 $0xFFFFFF80  }
0x7b: {  	_ =	swait.ge [sflag:s15], $0x1000  }
0x7c: {  	[sflag:s15] =	ssyncset.done $0x0  }
0x7d: {  	[sflag:s15] =	ssyncadd.s32 $0xFFFFF000  }
0x7e: {  	_ =	swait.ge [sflag:s15], $0x1000  }
0x7f: {  	v0 =	vmov s3;
	[sflag:s15] =	ssyncset.done $0x0  }
0x80: {  	v0 =	vshll.u32 v0, $0x5;
	[sflag:s15] =	ssyncadd.s32 $0xFFFFF000  }
0x81: {  	v0 =	vor.u32 v22, v0;
	_ =	swait.ge [sflag:s15], $0x80  }
0x82: {  	v1 =	vor.u32 v28, v0;
	[sflag:s15] =	ssyncset.done $0x0  }
0x83: {  	[sflag:s15] =	ssyncadd.s32 $0xFFFFFF80  }
0x84: {  	v2 =	vor.u32 v25, v0;
	_ =	swait.ge [sflag:s15], $0x80  }
0x85: {  	[sflag:s15] =	ssyncset.done $0x0  }
0x86: {  	v3 =	vor.u32 v29, v0;
	[sflag:s15] =	ssyncadd.s32 $0xFFFFFF80  }
0x87: {  	v5 =	vor.u32 v10, v0;
	v38 =	vld.idx.msk [tilespmem:v1+s13+$0x0], $0xffff  }
0x88: {  	v34 =	vld.idx.msk [tilespmem:v1+s14+$0x0], $0xffff  }
0x89: {  	v7 =	vor.u32 v26, v0;
	v33 =	vld.idx.msk [tilespmem:v2+s13+$0x0], $0xffff  }
0x8a: {  	v12 =	vld.idx.msk [tilespmem:v2+s14+$0x0], $0xffff  }
0x8b: {  	v9 =	vor.u32 v20, v0;
	v1 =	vld.idx.msk [tilespmem:v3+s13+$0x0], $0xffff  }
0x8c: {  	v6 =	vld.idx.msk [tilespmem:v5+s13+$0x0], $0xffff  }
0x8d: {  	v11 =	vor.u32 v14, v0;
	v5 =	vld.idx.msk [tilespmem:v5+s14+$0x0], $0xffff  }
0x8e: {  	v10 =	vld.idx.msk [tilespmem:v7+s13+$0x0], $0xffff  }
0x8f: {  	v35 =	vor.u32 v32, v0;
	v7 =	vld.idx.msk [tilespmem:v7+s14+$0x0], $0xffff  }
0x90: {  	v22 =	vmov v14;
	v14 =	vld.idx.msk [tilespmem:v9+s13+$0x0], $0xffff  }
0x91: {  	v56 =	vor.u32 v37, v0;
	v9 =	vld.idx.msk [tilespmem:v9+s14+$0x0], $0xffff  }
0x92: {  	v36 =	vld.idx.msk [tilespmem:v11+s13+$0x0], $0xffff  }
0x93: {  	v39 =	vor.u32 v31, v0;
	v11 =	vld.idx.msk [tilespmem:v11+s14+$0x0], $0xffff  }
0x94: {  	v40 =	vld.idx.msk [tilespmem:v35+s13+$0x0], $0xffff  }
0x95: {  	v41 =	vor.u32 v17, v0;
	v35 =	vld.idx.msk [tilespmem:v35+s14+$0x0], $0xffff  }
0x96: {  	v42 =	vld.idx.msk [tilespmem:v56+s13+$0x0], $0xffff  }
0x97: {  	v15 =	vmov v37;
	v58 =	vor.u32 v43, v0;
	v37 =	vld.idx.msk [tilespmem:v56+s14+$0x0], $0xffff  }
0x98: {  	v44 =	vld.idx.msk [tilespmem:v39+s13+$0x0], $0xffff  }
0x99: {  	v59 =	vor.u32 v45, v0;
	v39 =	vld.idx.msk [tilespmem:v39+s14+$0x0], $0xffff  }
0x9a: {  	v46 =	vld.idx.msk [tilespmem:v41+s13+$0x0], $0xffff  }
0x9b: {  	v47 =	vor.u32 v27, v0;
	v41 =	vld.idx.msk [tilespmem:v41+s14+$0x0], $0xffff  }
0x9c: {  	v48 =	vld.idx.msk [tilespmem:v58+s13+$0x0], $0xffff  }
0x9d: {  	v19 =	vmov v43;
	v43 =	vld.idx.msk [tilespmem:v58+s14+$0x0], $0xffff  }
0x9e: {  	v60 =	vor.u32 v49, v0;
	v50 =	vld.idx.msk [tilespmem:v59+s13+$0x0], $0xffff  }
0x9f: {  	v8 =	vor.u32 v16, v0;
	v16 =	vmov v45;
	v45 =	vld.idx.msk [tilespmem:v59+s14+$0x0], $0xffff  }
0xa0: {  	v62 =	vor.u32 v51, v0;
	v52 =	vld.idx.msk [tilespmem:v47+s13+$0x0], $0xffff  }
0xa1: {  	[tilespmem:$0x1FE50] =	vst v1;
	v1 =	vld.idx.msk [tilespmem:v3+s14+$0x0], $0xffff  }
0xa2: {  	v47 =	vld.idx.msk [tilespmem:v47+s14+$0x0], $0xffff  }
0xa3: {  	v53 =	vor.u32 v21, v0;
	v54 =	vld.idx.msk [tilespmem:v60+s13+$0x0], $0xffff  }
0xa4: {  	v17 =	vmov v49;
	v49 =	vld.idx.msk [tilespmem:v60+s14+$0x0], $0xffff  }
0xa5: {  	v55 =	vor.u32 v23, v0;
	v56 =	vld.idx.msk [tilespmem:v62+s13+$0x0], $0xffff  }
0xa6: {  	[tilespmem:$0x1FE60] =	vst v1;
	v1 =	vld.idx.msk [tilespmem:v8+s13+$0x0], $0xffff  }
0xa7: {  	v31 =	vmov v51;
	v51 =	vld.idx.msk [tilespmem:v62+s14+$0x0], $0xffff  }
0xa8: {  	v57 =	vor.u32 v57, v0;
	v58 =	vld.idx.msk [tilespmem:v53+s13+$0x0], $0xffff  }
0xa9: {  	v53 =	vld.idx.msk [tilespmem:v53+s14+$0x0], $0xffff  }
0xaa: {  	v60 =	vld.idx.msk [tilespmem:v55+s13+$0x0], $0xffff  }
0xab: {  	v23 =	vmov v61;
	v61 =	vor.u32 v61, v0;
	[tilespmem:$0x1FE30] =	vst v1;
	v1 =	vld.idx.msk [tilespmem:v8+s14+$0x0], $0xffff  }
0xac: {  	v55 =	vld.idx.msk [tilespmem:v55+s14+$0x0], $0xffff  }
0xad: {  	v62 =	vld.idx.msk [tilespmem:v57+s13+$0x0], $0xffff  }
0xae: {  	v18 =	vor.u32 v63, v0;
	v2 =	vld [tilespmem:$0x1FE80]  }
0xaf: {  	v57 =	vld.idx.msk [tilespmem:v57+s14+$0x0], $0xffff  }
0xb0: {  	v3 =	vld.idx.msk [tilespmem:v61+s13+$0x0], $0xffff;
	[tilespmem:$0x1FE40] =	vst v1;
	v1 =	vlaneseq.u32  }
0xb1: {  	v59 =	vor.u32 v1, v0;
	v1 =	vld [tilespmem:$0x1FE70]  }
0xb2: {  	v61 =	vld.idx.msk [tilespmem:v61+s14+$0x0], $0xffff  }
0xb3: {  	v2 =	vor.u32 v2, v0;
	v12 =	vmul.f32 v12, v33;
	v33 =	vld.idx.msk [tilespmem:v18+s13+$0x0], $0xffff  }
0xb4: {  	v5 =	vmul.f32 v5, v6;
	v6 =	vld.idx.msk [tilespmem:v18+s14+$0x0], $0xffff  }
0xb5: {  	v7 =	vmul.f32 v7, v10;
	v10 =	vld [tilespmem:$0x1FE90]  }
0xb6: {  	v34 =	vmul.f32 v34, v38;
	v18 =	vld [tilespmem:$0x1FEA0];
	v1 =	vor.u32 v1, v0  }
0xb7: {  	v38 =	vmul.f32 v41, v46;
	v41 =	vmul.f32 v43, v48;
	v48 =	vld [tilespmem:$0x1FEB0]  }
0xb8: {  	v35 =	vmul.f32 v35, v40;
	v40 =	vld.idx.msk [tilespmem:v2+s13+$0x0], $0xffff  }
0xb9: {  	v4 =	vld.idx.msk [tilespmem:v59+s14+$0x0], $0xffff  }
0xba: {  	v59 =	vld.idx.msk [tilespmem:v59+s13+$0x0], $0xffff  }
0xbb: {  	v13 =	vor.u32 v30, v0;
	v9 =	vmul.f32 v9, v14;
	v14 =	vld.idx.msk [tilespmem:v1+s13+$0x0], $0xffff  }
0xbc: {  	v1 =	vld.idx.msk [tilespmem:v1+s14+$0x0], $0xffff  }
0xbd: {  	v11 =	vmul.f32 v11, v36;
	v36 =	vmul.f32 v37, v42;
	v2 =	vld.idx.msk [tilespmem:v2+s14+$0x0], $0xffff  }
0xbe: {  	v10 =	vor.u32 v10, v0;
	v42 =	vor.u32 v48, v0;
	v48 =	vmul.f32 v53, v58;
	v58 =	vld [tilespmem:$0x1FEC0]  }
0xbf: {  	v3 =	vmul.f32 v61, v3;
	v61 =	vld [tilespmem:$0x1FEE0]  }
0xc0: {  	v37 =	vor.u32 v18, v0;
	v8 =	vld.idx.msk [tilespmem:v13+s13+$0x0], $0xffff;
	v4 =	vmul.f32 v4, v59  }
0xc1: {  	v1 =	vmul.f32 v1, v14;
	v14 =	vld [tilespmem:$0x1FED0]  }
0xc2: {  	v13 =	vld.idx.msk [tilespmem:v13+s14+$0x0], $0xffff;
	v4 =	vadd.f32 $0.0e+00, v4  }
0xc3: {  	v43 =	vmul.f32 v47, v52;
	v46 =	vmul.f32 v49, v54;
	v47 =	vld.idx.msk [tilespmem:v10+s13+$0x0], $0xffff  }
0xc4: {  	v49 =	vmul.f32 v55, v60;
	v60 =	vor.u32 v58, v0;
	v10 =	vld.idx.msk [tilespmem:v10+s14+$0x0], $0xffff;
	v4 =	vadd.f32 v48, v4  }
0xc5: {  	v24 =	vmov v63;
	v63 =	vld.idx.msk [tilespmem:v37+s13+$0x0], $0xffff  }
0xc6: {  	v53 =	vor.u32 v61, v0;
	v4 =	vadd.f32 v43, v4;
	v0 =	vor.u32 v14, v0;
	v14 =	vld.idx.msk [tilespmem:v37+s14+$0x0], $0xffff  }
0xc7: {  	v55 =	vld.idx.msk [tilespmem:v42+s13+$0x0], $0xffff;
	v2 =	vmul.f32 v2, v40;
	v1 =	vadd.f32 $0.0e+00, v1  }
0xc8: {  	v6 =	vmul.f32 v6, v33;
	v18 =	vmul.f32 v57, v62;
	v57 =	vld.idx.msk [tilespmem:v42+s14+$0x0], $0xffff;
	v4 =	vadd.f32 v38, v4  }
0xc9: {  	v3 =	vadd.f32 $0.0e+00, v3;
	v59 =	vld.idx.msk [tilespmem:v60+s13+$0x0], $0xffff;
	v1 =	vadd.f32 v2, v1;
	v2 =	vmul.f32 v10, v47  }
0xca: {  	v6 =	vadd.f32 $0.0e+00, v6;
	v10 =	vld.idx.msk [tilespmem:v60+s14+$0x0], $0xffff;
	v4 =	vadd.f32 v35, v4  }
0xcb: {  	v3 =	vadd.f32 v49, v3;
	v62 =	vld.idx.msk [tilespmem:v53+s13+$0x0], $0xffff;
	v1 =	vadd.f32 v2, v1;
	v2 =	vmul.f32 v14, v63  }
0xcc: {  	v6 =	vadd.f32 v18, v6;
	v58 =	vmul.f32 v51, v56;
	v4 =	vadd.f32 v9, v4;
	v9 =	vld [tilespmem:$0x1FE30]  }
0xcd: {  	v61 =	vld.idx.msk [tilespmem:v0+s13+$0x0], $0xffff;
	v1 =	vadd.f32 v2, v1;
	v2 =	vmul.f32 v57, v55  }
0xce: {  	v3 =	vadd.f32 v46, v3;
	v6 =	vadd.f32 v58, v6;
	v60 =	vmul.f32 v45, v50;
	v0 =	vld.idx.msk [tilespmem:v0+s14+$0x0], $0xffff  }
0xcf: {  	v63 =	vld.idx.msk [tilespmem:v53+s14+$0x0], $0xffff;
	v1 =	vadd.f32 v2, v1;
	v2 =	vmul.f32 v10, v59  }
0xd0: {  	v3 =	vadd.f32 v41, v3;
	v6 =	vadd.f32 v60, v6;
	v10 =	vld [tilespmem:$0x1FE40]  }
0xd1: {  	v14 =	vmul.f32 v39, v44;
	v1 =	vadd.f32 v2, v1;
	v2 =	vadd.f32 v5, v4;
	v4 =	vld [tilespmem:$0x1FE50]  }
0xd2: {  	v3 =	vadd.f32 v36, v3;
	v5 =	vld [tilespmem:$0x1FE60]  }
0xd3: {  	v8 =	vmul.f32 v13, v8;
	v6 =	vadd.f32 v14, v6  }
0xd4: {  	v3 =	vadd.f32 v11, v3;
	v0 =	vmul.f32 v0, v61  }
0xd5: {  	v6 =	vadd.f32 v8, v6;
	v9 =	vmul.f32 v10, v9  }
0xd6: {  	v18 =	vld [tilespmem:$0x1FFF0];
	v3 =	vadd.f32 v7, v3;
	v0 =	vadd.f32 v0, v1  }
0xd7: {  	v7 =	vld [tilespmem:s19+$0x0];
	v1 =	vmul.f32 v63, v62;
	v4 =	vmul.f32 v5, v4;
	v5 =	vadd.f32 v9, v6  }
0xd8: {  	v3 =	vadd.f32 v12, v3;
	v2 =	vadd.f32 v34, v2;
	v6 =	vld [tilespmem:s20+$0x0]  }
0xd9: {  	s25 =	simm.s32 $0x10;
	v0 =	vadd.f32 v1, v0;
	v4 =	vadd.f32 v4, v5  }
0xda: {  	v1 =	vmov s25  }
0xdb: {  	v2 =	vadd.f32 v3, v2;
	v1 =	vshll.u32 v1, $0x5;
	v0 =	vadd.f32 v0, v4  }
0xdc: {  	v37 =	vor.u32 v18, v1  }
0xdd: {  	v1 =	vor.u32 v28, v37;
	v0 =	vadd.f32 v0, v2;
	v2 =	vadd.f32 v7, v6;
	_ =	sdelay $0x1  }
0xde: {  	v3 =	vor.u32 v25, v37;
	v0 =	vadd.f32 v0, v2  }
0xdf: {  	v4 =	vor.u32 v27, v37;
	v27 =	vld [tilespmem:$0x1FFC0]  }
0xe0: {  	[tilespmem:s17+$0x0] =	vst v0;
	v0 =	vld [tilespmem:$0x1FFB0]  }
0xe1: {  	v6 =	vor.u32 v17, v37;
	v43 =	vld.idx.msk [tilespmem:v1+s13+$0x0], $0xffff  }
0xe2: {  	v45 =	vld.idx.msk [tilespmem:v1+s14+$0x0], $0xffff  }
0xe3: {  	v46 =	vld.idx.msk [tilespmem:v3+s13+$0x0], $0xffff  }
0xe4: {  	v2 =	vor.u32 v29, v37;
	v47 =	vld.idx.msk [tilespmem:v3+s14+$0x0], $0xffff  }
0xe5: {  	v3 =	vld [tilespmem:$0x1FF70]  }
0xe6: {  	v9 =	vor.u32 v21, v37;
	v5 =	vld.idx.msk [tilespmem:v6+s13+$0x0], $0xffff  }
0xe7: {  	v1 =	vor.u32 v26, v37;
	v26 =	vld [tilespmem:$0x1FFD0]  }
0xe8: {  	v7 =	vld.idx.msk [tilespmem:v6+s14+$0x0], $0xffff  }
0xe9: {  	v33 =	vld.idx.msk [tilespmem:v2+s13+$0x0], $0xffff  }
0xea: {  	v34 =	vld.idx.msk [tilespmem:v2+s14+$0x0], $0xffff;
	v2 =	vor.u32 v20, v37  }
0xeb: {  	v8 =	vld.idx.msk [tilespmem:v9+s13+$0x0], $0xffff  }
0xec: {  	v9 =	vld.idx.msk [tilespmem:v9+s14+$0x0], $0xffff  }
0xed: {  	v0 =	vor.u32 v0, v37;
	v50 =	vld.idx.msk [tilespmem:v1+s13+$0x0], $0xffff  }
0xee: {  	v51 =	vld.idx.msk [tilespmem:v1+s14+$0x0], $0xffff  }
0xef: {  	v3 =	vor.u32 v3, v37;
	v52 =	vld.idx.msk [tilespmem:v2+s13+$0x0], $0xffff  }
0xf0: {  	v53 =	vld.idx.msk [tilespmem:v2+s14+$0x0], $0xffff  }
0xf1: {  	v1 =	vor.u32 v30, v37;
	v2 =	vor.u32 v15, v37;
	v15 =	vld [tilespmem:$0x1FFE0]  }
0xf2: {  	v48 =	vld.idx.msk [tilespmem:v0+s13+$0x0], $0xffff  }
0xf3: {  	v49 =	vld.idx.msk [tilespmem:v0+s14+$0x0], $0xffff  }
0xf4: {  	v11 =	vor.u32 v26, v37;
	v35 =	vld.idx.msk [tilespmem:v3+s13+$0x0], $0xffff  }
0xf5: {  	v36 =	vld.idx.msk [tilespmem:v3+s14+$0x0], $0xffff  }
0xf6: {  	v0 =	vor.u32 v22, v37;
	v38 =	vld.idx.msk [tilespmem:v1+s13+$0x0], $0xffff  }
0xf7: {  	v39 =	vld.idx.msk [tilespmem:v1+s14+$0x0], $0xffff  }
0xf8: {  	v1 =	vld [tilespmem:$0x1FFA0]  }
0xf9: {  	v10 =	vld.idx.msk [tilespmem:v11+s13+$0x0], $0xffff  }
0xfa: {  	v3 =	vor.u32 v32, v37;
	v11 =	vld.idx.msk [tilespmem:v11+s14+$0x0], $0xffff  }
0xfb: {  	v54 =	vld.idx.msk [tilespmem:v0+s13+$0x0], $0xffff  }
0xfc: {  	v56 =	vld.idx.msk [tilespmem:v0+s14+$0x0], $0xffff;
	v0 =	vor.u32 v15, v37  }
0xfd: {  	v60 =	vld.idx.msk [tilespmem:v2+s13+$0x0], $0xffff  }
0xfe: {  	v61 =	vld.idx.msk [tilespmem:v2+s14+$0x0], $0xffff;
	v1 =	vor.u32 v1, v37  }
0xff: {  	v58 =	vld.idx.msk [tilespmem:v3+s13+$0x0], $0xffff  }
0x100: {  	v59 =	vld.idx.msk [tilespmem:v3+s14+$0x0], $0xffff;
	v3 =	vor.u32 v19, v37  }
0x101: {  	v40 =	vld.idx.msk [tilespmem:v0+s13+$0x0], $0xffff  }
0x102: {  	v2 =	vor.u32 v16, v37;
	v41 =	vld.idx.msk [tilespmem:v0+s14+$0x0], $0xffff  }
0x103: {  	v62 =	vld.idx.msk [tilespmem:v1+s13+$0x0], $0xffff  }
0x104: {  	v63 =	vld.idx.msk [tilespmem:v1+s14+$0x0], $0xffff  }
0x105: {  	v0 =	vld.idx.msk [tilespmem:v3+s13+$0x0], $0xffff  }
0x106: {  	v1 =	vld.idx.msk [tilespmem:v3+s14+$0x0], $0xffff;
	v3 =	vor.u32 v31, v37  }
0x107: {  	v42 =	vld.idx.msk [tilespmem:v2+s13+$0x0], $0xffff  }
0x108: {  	v6 =	vor.u32 v27, v37;
	v44 =	vld.idx.msk [tilespmem:v2+s14+$0x0], $0xffff  }
0x109: {  	v2 =	vld.idx.msk [tilespmem:v4+s13+$0x0], $0xffff  }
0x10a: {  	v4 =	vld.idx.msk [tilespmem:v4+s14+$0x0], $0xffff  }
0x10b: {  	v55 =	vld.idx.msk [tilespmem:v3+s13+$0x0], $0xffff  }
0x10c: {  	v12 =	vlaneseq.u32;
	v57 =	vld.idx.msk [tilespmem:v3+s14+$0x0], $0xffff  }
0x10d: {  	v14 =	vor.u32 v12, v37;
	v3 =	vld.idx.msk [tilespmem:v6+s13+$0x0], $0xffff  }
0x10e: {  	s23 =	simm.s32 $0x8800;
	s25 =	simm.s32 $0x20;
	v13 =	vor.u32 v23, v37;
	v12 =	vor.u32 v24, v37;
	v30 =	vlaneseq.u32;
	v22 =	vmovc v18;
	v31 =	vmovc v15;
	v6 =	vld.idx.msk [tilespmem:v6+s14+$0x0], $0xffff  }
.LBB2_2:
0x10f: {  	_ =	sdelay $0x3  }
0x110: {  	v15 =	vld.idx.msk [tilespmem:v14+s14+$0x0], $0xffff  }
0x111: {  	v14 =	vld.idx.msk [tilespmem:v14+s13+$0x0], $0xffff  }
0x112: {  	v16 =	vld [tilespmem:$0x1FE70]  }
0x113: {  	v17 =	vld.idx.msk [tilespmem:v13+s13+$0x0], $0xffff  }
0x114: {  	v13 =	vld.idx.msk [tilespmem:v13+s14+$0x0], $0xffff  }
0x115: {  	v18 =	vld [tilespmem:$0x1FE80]  }
0x116: {  	v19 =	vld.idx.msk [tilespmem:v12+s13+$0x0], $0xffff  }
0x117: {  	v12 =	vld.idx.msk [tilespmem:v12+s14+$0x0], $0xffff  }
0x118: {  	v20 =	vld [tilespmem:$0x1FE90];
	v43 =	vmul.f32 v45, v43;
	v45 =	vmul.f32 v47, v46  }
0x119: {  	v47 =	vmul.f32 v49, v48;
	v49 =	vld [tilespmem:$0x1FEA0];
	v60 =	vmul.f32 v61, v60;
	v16 =	vor.u32 v16, v37  }
0x11a: {  	v61 =	vmul.f32 v63, v62;
	v0 =	vmul.f32 v1, v0;
	v1 =	vld [tilespmem:$0x1FEB0]  }
0x11b: {  	v2 =	vmul.f32 v4, v2;
	v4 =	vmul.f32 v7, v5;
	v63 =	vld [tilespmem:$0x1FED0];
	v18 =	vor.u32 v18, v37  }
0x11c: {  	v7 =	vmul.f32 v9, v8;
	v8 =	vmul.f32 v11, v10;
	v10 =	vld [tilespmem:$0x1FEC0]  }
0x11d: {  	v20 =	vor.u32 v20, v37;
	v11 =	vmul.f32 v15, v14;
	v15 =	vld [tilespmem:$0x1FEE0]  }
0x11e: {  	v46 =	vld.idx.msk [tilespmem:v16+s13+$0x0], $0xffff  }
0x11f: {  	v49 =	vor.u32 v49, v37;
	v16 =	vld.idx.msk [tilespmem:v16+s14+$0x0], $0xffff  }
0x120: {  	v48 =	vmul.f32 v51, v50;
	v50 =	vmul.f32 v53, v52;
	v52 =	vld.idx.msk [tilespmem:v18+s13+$0x0], $0xffff  }
0x121: {  	v51 =	vmul.f32 v56, v54;
	v1 =	vor.u32 v1, v37;
	v18 =	vld.idx.msk [tilespmem:v18+s14+$0x0], $0xffff  }
0x122: {  	v53 =	vmul.f32 v59, v58;
	v13 =	vmul.f32 v13, v17;
	v5 =	vld.idx.msk [tilespmem:v20+s13+$0x0], $0xffff  }
0x123: {  	v12 =	vmul.f32 v12, v19;
	v11 =	vadd.f32 $0.0e+00, v11;
	v10 =	vor.u32 v10, v37;
	v9 =	vld.idx.msk [tilespmem:v20+s14+$0x0], $0xffff  }
0x124: {  	v3 =	vmul.f32 v6, v3;
	v13 =	vadd.f32 $0.0e+00, v13;
	v14 =	vld.idx.msk [tilespmem:v49+s13+$0x0], $0xffff;
	v16 =	vmul.f32 v16, v46  }
0x125: {  	v19 =	vor.u32 v63, v37;
	v12 =	vadd.f32 $0.0e+00, v12;
	v7 =	vadd.f32 v7, v11;
	v62 =	vld.idx.msk [tilespmem:v49+s14+$0x0], $0xffff  }
0x126: {  	v8 =	vadd.f32 v8, v13;
	v6 =	vld.idx.msk [tilespmem:v1+s13+$0x0], $0xffff;
	v18 =	vmul.f32 v18, v52;
	v16 =	vadd.f32 $0.0e+00, v16  }
0x127: {  	v11 =	vmul.f32 v57, v55;
	v3 =	vadd.f32 v3, v12;
	v15 =	vor.u32 v15, v37;
	v1 =	vld.idx.msk [tilespmem:v1+s14+$0x0], $0xffff  }
0x128: {  	v2 =	vadd.f32 v2, v7;
	v13 =	vld.idx.msk [tilespmem:v10+s13+$0x0], $0xffff;
	v5 =	vmul.f32 v9, v5;
	v12 =	vadd.f32 v18, v16  }
0x129: {  	v4 =	vadd.f32 v4, v8;
	v7 =	vmul.f32 v44, v42;
	v3 =	vadd.f32 v11, v3;
	v9 =	vld.idx.msk [tilespmem:v10+s14+$0x0], $0xffff  }
0x12a: {  	v8 =	vld.idx.msk [tilespmem:v19+s13+$0x0], $0xffff;
	v2 =	vadd.f32 v61, v2;
	v10 =	vmul.f32 v62, v14;
	v5 =	vadd.f32 v5, v12  }
0x12b: {  	v11 =	vld.idx.msk [tilespmem:v19+s14+$0x0], $0xffff;
	v0 =	vadd.f32 v0, v4;
	v4 =	vmul.f32 v41, v40;
	v3 =	vadd.f32 v7, v3  }
0x12c: {  	v1 =	vmul.f32 v1, v6;
	v6 =	vld.idx.msk [tilespmem:v15+s14+$0x0], $0xffff;
	v2 =	vadd.f32 v53, v2;
	v5 =	vadd.f32 v10, v5  }
0x12d: {  	v7 =	vmul.f32 v39, v38;
	v0 =	vadd.f32 v60, v0;
	v3 =	vadd.f32 v4, v3;
	v12 =	vld.idx.msk [tilespmem:v15+s13+$0x0], $0xffff  }
0x12e: {  	v2 =	vadd.f32 v50, v2;
	v4 =	vmul.f32 v9, v13;
	v1 =	vadd.f32 v1, v5  }
0x12f: {  	v0 =	vadd.f32 v51, v0;
	v3 =	vadd.f32 v7, v3  }
0x130: {  	v5 =	vmul.f32 v36, v35;
	v1 =	vadd.f32 v4, v1;
	v4 =	vmul.f32 v11, v8  }
0x131: {  	s20 =	sadd.s32 $0x10, s20;
	v7 =	vmul.f32 v34, v33;
	v2 =	vadd.f32 v47, v2;
	v0 =	vadd.f32 v48, v0  }
0x132: {  	s19 =	sadd.s32 $0x10, s19;
	v3 =	vadd.f32 v5, v3;
	v5 =	vld [tilespmem:s20+$0x0];
	v1 =	vadd.f32 v4, v1;
	v4 =	vmul.f32 v6, v12  }
0x133: {  	v2 =	vadd.f32 v43, v2;
	v0 =	vadd.f32 v45, v0;
	v6 =	vld [tilespmem:s19+$0x0]  }
0x134: {  	v3 =	vadd.f32 v7, v3;
	v1 =	vadd.f32 v4, v1  }
0x135: {  	v4 =	vmov s25  }
0x136: {  	v0 =	vadd.f32 v0, v2;
	v4 =	vshll.u32 v4, $0x5;
	v1 =	vadd.f32 v1, v3  }
0x137: {  	v37 =	vor.u32 v22, v4  }
0x138: {  	v2 =	vor.u32 v28, v37;
	v0 =	vadd.f32 v1, v0;
	v1 =	vadd.f32 v6, v5;
	_ =	sdelay $0x1  }
0x139: {  	v3 =	vor.u32 v25, v37;
	v0 =	vadd.f32 v0, v1  }
0x13a: {  	s23 =	sadd.s32 $0x10, s23  }
0x13b: {  	[tilespmem:s23+$0x0] =	vst v0;
	v0 =	vld [tilespmem:$0x1FFB0]  }
0x13c: {  	v43 =	vld.idx.msk [tilespmem:v2+s13+$0x0], $0xffff  }
0x13d: {  	v1 =	vor.u32 v29, v37;
	v45 =	vld.idx.msk [tilespmem:v2+s14+$0x0], $0xffff  }
0x13e: {  	v46 =	vld.idx.msk [tilespmem:v3+s13+$0x0], $0xffff  }
0x13f: {  	v2 =	vld [tilespmem:$0x1FEF0]  }
0x140: {  	v47 =	vld.idx.msk [tilespmem:v3+s14+$0x0], $0xffff  }
0x141: {  	v3 =	vld [tilespmem:$0x1FF70];
	v0 =	vor.u32 v0, v37  }
0x142: {  	v33 =	vld.idx.msk [tilespmem:v1+s13+$0x0], $0xffff  }
0x143: {  	v34 =	vld.idx.msk [tilespmem:v1+s14+$0x0], $0xffff  }
0x144: {  	v1 =	vld [tilespmem:$0x1FF20];
	v2 =	vor.u32 v2, v37;
	_ =	sdelay $0x1  }
0x145: {  	v3 =	vor.u32 v3, v37;
	v48 =	vld.idx.msk [tilespmem:v0+s13+$0x0], $0xffff  }
0x146: {  	v49 =	vld.idx.msk [tilespmem:v0+s14+$0x0], $0xffff  }
0x147: {  	v0 =	vld [tilespmem:$0x1FF00]  }
0x148: {  	v1 =	vor.u32 v1, v37;
	v50 =	vld.idx.msk [tilespmem:v2+s13+$0x0], $0xffff  }
0x149: {  	v51 =	vld.idx.msk [tilespmem:v2+s14+$0x0], $0xffff  }
0x14a: {  	v35 =	vld.idx.msk [tilespmem:v3+s13+$0x0], $0xffff  }
0x14b: {  	v2 =	vld [tilespmem:$0x1FF10]  }
0x14c: {  	v36 =	vld.idx.msk [tilespmem:v3+s14+$0x0], $0xffff;
	v3 =	vor.u32 v32, v37  }
0x14d: {  	v52 =	vld.idx.msk [tilespmem:v1+s13+$0x0], $0xffff  }
0x14e: {  	v53 =	vld.idx.msk [tilespmem:v1+s14+$0x0], $0xffff  }
0x14f: {  	v1 =	vld [tilespmem:$0x1FF30];
	v0 =	vor.u32 v0, v37;
	_ =	sdelay $0x1  }
0x150: {  	v2 =	vor.u32 v2, v37;
	v58 =	vld.idx.msk [tilespmem:v3+s13+$0x0], $0xffff  }
0x151: {  	v59 =	vld.idx.msk [tilespmem:v3+s14+$0x0], $0xffff  }
0x152: {  	v3 =	vld [tilespmem:$0x1FF60]  }
0x153: {  	v1 =	vor.u32 v1, v37;
	v54 =	vld.idx.msk [tilespmem:v0+s13+$0x0], $0xffff  }
0x154: {  	v56 =	vld.idx.msk [tilespmem:v0+s14+$0x0], $0xffff  }
0x155: {  	v38 =	vld.idx.msk [tilespmem:v2+s13+$0x0], $0xffff  }
0x156: {  	v0 =	vor.u32 v31, v37;
	v39 =	vld.idx.msk [tilespmem:v2+s14+$0x0], $0xffff  }
0x157: {  	v2 =	vld [tilespmem:$0x1FFA0]  }
0x158: {  	v60 =	vld.idx.msk [tilespmem:v1+s13+$0x0], $0xffff  }
0x159: {  	v61 =	vld.idx.msk [tilespmem:v1+s14+$0x0], $0xffff  }
0x15a: {  	v9 =	vor.u32 v21, v37;
	v1 =	vld [tilespmem:$0x1FF40]  }
0x15b: {  	v40 =	vld.idx.msk [tilespmem:v0+s13+$0x0], $0xffff  }
0x15c: {  	v41 =	vld.idx.msk [tilespmem:v0+s14+$0x0], $0xffff  }
0x15d: {  	v3 =	vor.u32 v3, v37;
	v0 =	vld [tilespmem:$0x1FF80]  }
0x15e: {  	v2 =	vor.u32 v2, v37  }
0x15f: {  	v8 =	vld.idx.msk [tilespmem:v9+s13+$0x0], $0xffff  }
0x160: {  	v9 =	vld.idx.msk [tilespmem:v9+s14+$0x0], $0xffff  }
0x161: {  	v4 =	vor.u32 v1, v37;
	v1 =	vld [tilespmem:$0x1FF50]  }
0x162: {  	v5 =	vor.u32 v0, v37;
	v0 =	vld.idx.msk [tilespmem:v3+s13+$0x0], $0xffff  }
0x163: {  	v62 =	vld.idx.msk [tilespmem:v2+s13+$0x0], $0xffff  }
0x164: {  	v63 =	vld.idx.msk [tilespmem:v2+s14+$0x0], $0xffff  }
0x165: {  	v2 =	vld [tilespmem:$0x1FF90]  }
0x166: {  	v6 =	vor.u32 v1, v37;
	v1 =	vld.idx.msk [tilespmem:v3+s14+$0x0], $0xffff  }
0x167: {  	v42 =	vld.idx.msk [tilespmem:v4+s13+$0x0], $0xffff  }
0x168: {  	v11 =	vor.u32 v26, v37;
	v44 =	vld.idx.msk [tilespmem:v4+s14+$0x0], $0xffff  }
0x169: {  	v4 =	vld.idx.msk [tilespmem:v5+s14+$0x0], $0xffff  }
0x16a: {  	v3 =	vor.u32 v2, v37;
	v2 =	vld.idx.msk [tilespmem:v5+s13+$0x0], $0xffff  }
0x16b: {  	v5 =	vld.idx.msk [tilespmem:v6+s13+$0x0], $0xffff  }
0x16c: {  	v7 =	vld.idx.msk [tilespmem:v6+s14+$0x0], $0xffff;
	v6 =	vor.u32 v27, v37  }
0x16d: {  	p0 =	sne.s32 s25, $0x1F0;
	v10 =	vld.idx.msk [tilespmem:v11+s13+$0x0], $0xffff  }
.Ltmp0:
0x16e: {  	v11 =	vld.idx.msk [tilespmem:v11+s14+$0x0], $0xffff;
	(pc) =	sbr.rel @p0 .LBB2_2-.Ltmp0, $4  }
0x16f: {  	v55 =	vld.idx.msk [tilespmem:v3+s13+$0x0], $0xffff  }
0x170: {  	v57 =	vld.idx.msk [tilespmem:v3+s14+$0x0], $0xffff  }
0x171: {  	v3 =	vld.idx.msk [tilespmem:v6+s13+$0x0], $0xffff  }
0x172: {  	s25 =	sadd.s32 $0x10, s25;
	v14 =	vor.u32 v30, v37;
	v13 =	vor.u32 v23, v37;
	v12 =	vor.u32 v24, v37;
	v6 =	vld.idx.msk [tilespmem:v6+s14+$0x0], $0xffff  }
0x173: {  	_ =	sdelay $0x2  }
0x174: {  	v18 =	vld [tilespmem:$0x1FE80]  }
0x175: {  	v15 =	vld.idx.msk [tilespmem:v14+s14+$0x0], $0xffff  }
0x176: {  	v14 =	vld.idx.msk [tilespmem:v14+s13+$0x0], $0xffff  }
0x177: {  	v16 =	vld [tilespmem:$0x1FE70]  }
0x178: {  	v30 =	vld [tilespmem:$0x1FE90]  }
0x179: {  	v17 =	vld.idx.msk [tilespmem:v13+s13+$0x0], $0xffff;
	v18 =	vor.u32 v18, v37  }
0x17a: {  	v13 =	vld.idx.msk [tilespmem:v13+s14+$0x0], $0xffff  }
0x17b: {  	v19 =	vld.idx.msk [tilespmem:v12+s13+$0x0], $0xffff  }
0x17c: {  	v20 =	vmul.f32 v45, v43;
	v43 =	vmul.f32 v47, v46;
	v12 =	vld.idx.msk [tilespmem:v12+s14+$0x0], $0xffff  }
0x17d: {  	v46 =	vmul.f32 v49, v48;
	v16 =	vor.u32 v16, v37;
	v45 =	vor.u32 v30, v37;
	v30 =	vld [tilespmem:$0x1FEA0]  }
0x17e: {  	v47 =	vmul.f32 v51, v50;
	v50 =	vmul.f32 v56, v54;
	v54 =	vld.idx.msk [tilespmem:v18+s13+$0x0], $0xffff  }
0x17f: {  	v49 =	vmul.f32 v53, v52;
	v53 =	vmul.f32 v61, v60;
	v60 =	vld.idx.msk [tilespmem:v18+s14+$0x0], $0xffff  }
0x180: {  	v18 =	vld [tilespmem:$0x1FEB0]  }
0x181: {  	v56 =	vmul.f32 v63, v62;
	v63 =	vmul.f32 v9, v8;
	v9 =	vld [tilespmem:$0x1FEC0]  }
0x182: {  	v48 =	vld.idx.msk [tilespmem:v16+s13+$0x0], $0xffff  }
0x183: {  	v16 =	vld.idx.msk [tilespmem:v16+s14+$0x0], $0xffff;
	v51 =	vor.u32 v30, v37  }
0x184: {  	v0 =	vmul.f32 v1, v0;
	v13 =	vmul.f32 v13, v17;
	v17 =	vld [tilespmem:$0x1FED0]  }
0x185: {  	v8 =	vmul.f32 v11, v10;
	v11 =	vmul.f32 v15, v14;
	v14 =	vld [tilespmem:$0x1FEE0];
	v18 =	vor.u32 v18, v37  }
0x186: {  	v2 =	vmul.f32 v4, v2;
	v61 =	vmul.f32 v7, v5;
	v62 =	vld.idx.msk [tilespmem:v45+s13+$0x0], $0xffff  }
0x187: {  	v9 =	vor.u32 v9, v37;
	v12 =	vmul.f32 v12, v19;
	v11 =	vadd.f32 $0.0e+00, v11;
	v10 =	vld.idx.msk [tilespmem:v45+s14+$0x0], $0xffff  }
0x188: {  	v3 =	vmul.f32 v6, v3;
	v13 =	vadd.f32 $0.0e+00, v13;
	v15 =	vld.idx.msk [tilespmem:v51+s13+$0x0], $0xffff;
	v16 =	vmul.f32 v16, v48  }
0x189: {  	v12 =	vadd.f32 $0.0e+00, v12;
	v7 =	vadd.f32 v63, v11;
	v17 =	vor.u32 v17, v37;
	v19 =	vld.idx.msk [tilespmem:v51+s14+$0x0], $0xffff  }
0x18a: {  	v14 =	vor.u32 v14, v37;
	v1 =	vmul.f32 v60, v54;
	v16 =	vadd.f32 $0.0e+00, v16;
	v37 =	vld.idx.msk [tilespmem:v18+s13+$0x0], $0xffff  }
0x18b: {  	v8 =	vadd.f32 v8, v13;
	v11 =	vmul.f32 v57, v55;
	v3 =	vadd.f32 v3, v12;
	v18 =	vld.idx.msk [tilespmem:v18+s14+$0x0], $0xffff  }
0x18c: {  	v13 =	vld.idx.msk [tilespmem:v9+s13+$0x0], $0xffff;
	v2 =	vadd.f32 v2, v7;
	v5 =	vmul.f32 v10, v62;
	v1 =	vadd.f32 v1, v16  }
0x18d: {  	v44 =	vmul.f32 v44, v42;
	v9 =	vld.idx.msk [tilespmem:v9+s14+$0x0], $0xffff;
	v4 =	vadd.f32 v61, v8;
	v3 =	vadd.f32 v11, v3  }
0x18e: {  	v2 =	vadd.f32 v56, v2;
	v8 =	vld.idx.msk [tilespmem:v17+s13+$0x0], $0xffff;
	v45 =	vmul.f32 v19, v15;
	v1 =	vadd.f32 v5, v1  }
0x18f: {  	v52 =	vmul.f32 v59, v58;
	v0 =	vadd.f32 v0, v4;
	v3 =	vadd.f32 v44, v3;
	v10 =	vld.idx.msk [tilespmem:v17+s14+$0x0], $0xffff  }
0x190: {  	v48 =	vmul.f32 v41, v40;
	v11 =	vld.idx.msk [tilespmem:v14+s13+$0x0], $0xffff;
	v1 =	vadd.f32 v45, v1;
	v51 =	vmul.f32 v18, v37  }
0x191: {  	v55 =	vmul.f32 v39, v38;
	v54 =	vld.idx.msk [tilespmem:v14+s14+$0x0], $0xffff;
	v2 =	vadd.f32 v52, v2;
	v0 =	vadd.f32 v53, v0  }
0x192: {  	v56 =	vmul.f32 v9, v13;
	v3 =	vadd.f32 v48, v3;
	v1 =	vadd.f32 v51, v1  }
0x193: {  	v57 =	vmul.f32 v36, v35;
	v2 =	vadd.f32 v49, v2;
	v0 =	vadd.f32 v50, v0  }
0x194: {  	v3 =	vadd.f32 v55, v3;
	v58 =	vmul.f32 v10, v8;
	v1 =	vadd.f32 v56, v1  }
0x195: {  	v59 =	vmul.f32 v34, v33;
	s20 =	sadd.s32 $0x10, s20;
	v2 =	vadd.f32 v46, v2;
	v0 =	vadd.f32 v47, v0  }
0x196: {  	s19 =	sadd.s32 $0x10, s19;
	v61 =	vld [tilespmem:s20+$0x0];
	v60 =	vmul.f32 v54, v11;
	v3 =	vadd.f32 v57, v3;
	v1 =	vadd.f32 v58, v1  }
0x197: {  	v62 =	vld [tilespmem:s19+$0x0];
	v2 =	vadd.f32 v20, v2;
	v0 =	vadd.f32 v43, v0  }
0x198: {  	v3 =	vadd.f32 v59, v3;
	v1 =	vadd.f32 v60, v1;
	_ =	sdelay $0x1  }
0x199: {  	v0 =	vadd.f32 v0, v2;
	v1 =	vadd.f32 v1, v3;
	_ =	sdelay $0x1  }
0x19a: {  	v63 =	vadd.f32 v62, v61;
	v0 =	vadd.f32 v1, v0;
	_ =	sdelay $0x1  }
0x19b: {  	v0 =	vadd.f32 v0, v63  }
0x19c: {  	s25 =	sadd.s32 $0x10, s23  }
0x19d: {  	[tilespmem:s25+$0x0] =	vst v0  }
0x19e: {  	[hbm4b:s9+s3] =	stream.linear.scatter [tilespmem:s17], [sflag:$0x2], $0x200, $0x38;
	[tilespmem:$0x8A00] =	vst v63  }
0x19f: {  	_ =	swait.ge [sflag:s11], $0x200  }
0x1a0: {  	v57 =	vmov v27;
	v27 =	vld [tilespmem:$0x1FF80]  }
0x1a1: {  	v49 =	vld [tilespmem:$0x1FF50]  }
0x1a2: {  	v51 =	vld [tilespmem:$0x1FF90]  }
0x1a3: {  	v17 =	vld [tilespmem:$0x1FFA0]  }
0x1a4: {  	v43 =	vld [tilespmem:$0x1FF60]  }
0x1a5: {  	v45 =	vld [tilespmem:$0x1FF40]  }
0x1a6: {  	s18 =	sadd.s32 $0x1, s18;
	v37 =	vld [tilespmem:$0x1FF30]  }
0x1a7: {  	p0 =	sne.s32 s18, s10;
	v20 =	vld [tilespmem:$0x1FF20]  }
.Ltmp1:
0x1a8: {  	v14 =	vld [tilespmem:$0x1FF00];
	(pc) =	sbr.rel @p0 .LBB2_1-.Ltmp1, $4  }
0x1a9: {  	v30 =	vld [tilespmem:$0x1FF10]  }
0x1aa: {  	v10 =	vld [tilespmem:$0x1FFB0]  }
0x1ab: {  	v61 =	vmov v23;
	v23 =	vmov v26;
	[sflag:s11] =	ssyncset.done $0x0;
	v26 =	vld [tilespmem:$0x1FEF0]  }
0x1ac: {  	v63 =	vmov v24;
	v16 =	vld [tilespmem:$0x1FF70];
	[sflag:s11] =	ssyncadd.s32 $0xFFFFFE00  }
0x1ad: {  	_ =	sfence.sel $0x180000  }
0x1ae: {  	[bflag:$0x0] =	sbarrier.arrive $0xFFFF  }
0x1af: {  	_ =	strace $0x90000047  }
0x1b0: {  	s0 =	stileid.u32;
	[bflag:$0x2] =	sbarrier.arrive $0xFFFF  }
0x1b1: {  	p0 =	sne.s32 s0, $0x0;
	s0 =	rddreg [dreg:$0x6]  }
0x1b2: {  	s0 =	sadd.s32 @!p0 $0x100000, s0  }
0x1b3: {  	[sflag:s0] =	ssyncadd.tile.s32 @!p0 $0x1;
	_ =	shalt  }
.Lfunc_end2:
_tile_overlayer_lowered:
.L_overlay_start_2:
0x1b4: {  	(tag) =	ssettag $0x2  }
0x1b5: {  	s0 =	rddreg [dreg:$0x0];
	s2 =	stileid.u32  }
0x1b6: {  	s1 =	rddreg [dreg:$0x1];
	p0 =	sne.s32 s2, $0x0  }
0x1b7: {  	s3 =	rddreg [dreg:$0x2];
	[bflag:$0x3] =	sbarrier.arrive $0xFFFF;
	s2 =	simm.s32 @!p0 $0x1C02  }
0x1b8: {  	[timem:s3], [sflag:s2] =	dma.local @!p0 [hbm:s0], s1  }
0x1b9: {  	s0 =	simm.s32 @!p0 $0x2  }
0x1ba: {  	_ =	swait.ge @!p0 [sflag:s0], s1  }
0x1bb: {  	s1 =	ssub.s32 @!p0 $0x0, s1;
	[sflag:s0] =	ssyncset.done @!p0 $0x0  }
0x1bc: {  	[sflag:s0] =	ssyncadd.s32 @!p0 s1  }
0x1bd: {  	[bflag:$0x3] =	sbarrier.arrive $0xFFFF  }
0x1be: {  	_ =	shalt  }

</sc_bundles>
